<compile_context>
chip_gen: v7x
topology: tpu7x:2x2x1
jax: 0.10.2.dev20260603
libtpu: 0.0.44.dev20260713+nightly
codegen_flags: <defaults>
</compile_context>

<pallas_src>
import functools

import jax
import jax.numpy as jnp
from jax import lax
from jax.experimental import pallas as pl
from jax.experimental.pallas import tpu as pltpu
from jax.experimental.pallas import tpu_sc as plsc

N = 10000
E = 320000
D = 128
DH = D // 2

CH = 128
NB = 2
NTEC = 16
BLOCKS_PER_T = 80
CHUNKS_PER_T = BLOCKS_PER_T * NB
NCHUNK_PAD = CHUNKS_PER_T * NTEC
NBLK = NCHUNK_PAD // NB
EP = NCHUNK_PAD * CH
N_PAD = 10112
ROWS_PER_TILE = N_PAD // NTEC


def _sc_aggregate():
    mesh = plsc.VectorSubcoreMesh(core_axis_name="c", subcore_axis_name="s")

    @functools.partial(
        pl.kernel,
        out_type=jax.ShapeDtypeStruct((2, N, DH), jnp.float32),
        mesh=mesh,
        compiler_params=pltpu.CompilerParams(use_tc_tiling_on_sc=False),
        scratch_types=[
            pltpu.VMEM((2, 2, NB, CH), jnp.int32),
            pltpu.VMEM((2, NB, CH, DH), jnp.float32),
            pltpu.VMEM_SHARED((N_PAD, DH), jnp.float32),
            pltpu.VMEM_SHARED((N_PAD, DH), jnp.float32),
            pltpu.SemaphoreType.DMA,
            pltpu.SemaphoreType.DMA,
            pltpu.SemaphoreType.DMA,
            pltpu.SemaphoreType.DMA,
        ],
    )
    def sc_agg(x_hbm, eidx_hbm, zeros_hbm, out_hbm,
               idx_v, rows_v, agg_sh, x_sh,
               gsem0, gsem1, ssem0, ssem1):
        c = lax.axis_index("c")
        s = lax.axis_index("s")
        r0 = s * ROWS_PER_TILE
        blk0 = s * BLOCKS_PER_T
        gsem = (gsem0, gsem1)
        ssem = (ssem0, ssem1)

        def fire_gathers(p):
            for j in range(NB):
                pltpu.async_copy(x_sh.at[idx_v.at[p, 0, j]],
                                 rows_v.at[p, j], gsem[p])

        def drain_gathers(p):
            for j in range(NB):
                pltpu.make_async_copy(x_sh.at[idx_v.at[p, 0, j]],
                                      rows_v.at[p, j], gsem[p]).wait()

        def fire_scatters(p):
            for j in range(NB):
                pltpu.async_copy(rows_v.at[p, j],
                                 agg_sh.at[idx_v.at[p, 1, j]], ssem[p],
                                 add=True)

        def drain_scatters(p):
            for j in range(NB):
                pltpu.make_async_copy(rows_v.at[p, j],
                                      agg_sh.at[idx_v.at[p, 1, j]],
                                      ssem[p]).wait()

        pltpu.sync_copy(zeros_hbm, agg_sh.at[pl.ds(r0, ROWS_PER_TILE)])

        @pl.when(s < NTEC - 1)
        def _stage_full():
            pltpu.sync_copy(x_hbm.at[pl.ds(r0, ROWS_PER_TILE),
                                     pl.ds(c * DH, DH)],
                            x_sh.at[pl.ds(r0, ROWS_PER_TILE)])

        @pl.when(s == NTEC - 1)
        def _stage_tail():
            real = N - (NTEC - 1) * ROWS_PER_TILE
            pltpu.sync_copy(x_hbm.at[pl.ds((NTEC - 1) * ROWS_PER_TILE, real),
                                     pl.ds(c * DH, DH)],
                            x_sh.at[pl.ds((NTEC - 1) * ROWS_PER_TILE, real)])
            pltpu.sync_copy(zeros_hbm.at[pl.ds(0, N_PAD - N)],
                            x_sh.at[pl.ds(N, N_PAD - N)])

        plsc.subcore_barrier()

        pltpu.sync_copy(eidx_hbm.at[blk0], idx_v.at[0])
        fire_gathers(0)

        def body(gi, carry):
            drain_gathers(0)

            @pl.when(gi > 0)
            def _():
                drain_scatters(1)

            pltpu.sync_copy(eidx_hbm.at[blk0 + 2 * gi + 1], idx_v.at[1])
            fire_gathers(1)
            fire_scatters(0)

            drain_gathers(1)
            drain_scatters(0)

            @pl.when(gi < BLOCKS_PER_T // 2 - 1)
            def _():
                pltpu.sync_copy(eidx_hbm.at[blk0 + 2 * gi + 2], idx_v.at[0])
                fire_gathers(0)

            fire_scatters(1)
            return carry

        lax.fori_loop(0, BLOCKS_PER_T // 2, body, 0)
        drain_scatters(1)
        plsc.subcore_barrier()

        @pl.when(r0 + ROWS_PER_TILE <= N)
        def _full():
            pltpu.sync_copy(agg_sh.at[pl.ds(r0, ROWS_PER_TILE)],
                            out_hbm.at[c, pl.ds(r0, ROWS_PER_TILE)])

        @pl.when(jnp.logical_and(r0 < N, r0 + ROWS_PER_TILE > N))
        def _tail():
            rb = (N // ROWS_PER_TILE) * ROWS_PER_TILE
            rem = N - rb
            pltpu.sync_copy(agg_sh.at[pl.ds(rb, rem)],
                            out_hbm.at[c, pl.ds(rb, rem)])

    return sc_agg


def _tc_body(x_ref, agg_ref, w1_ref, b1_ref, w2_ref, b2_ref, g_ref, be_ref,
             out_ref):
    agg = jnp.concatenate([agg_ref[0], agg_ref[1]], axis=-1)
    h = x_ref[...] + agg
    h1 = jnp.dot(h, w1_ref[...], preferred_element_type=jnp.float32)
    h1 = jnp.maximum(h1 + b1_ref[...], 0.0)
    h2 = jnp.dot(h1, w2_ref[...], preferred_element_type=jnp.float32)
    h2 = h2 + b2_ref[...]
    mean = jnp.mean(h2, axis=0, keepdims=True)
    var = jnp.mean(jnp.square(h2 - mean), axis=0, keepdims=True)
    hn = (h2 - mean) * lax.rsqrt(var + 1e-5) * g_ref[...] + be_ref[...]
    out_ref[...] = jnp.maximum(hn, 0.0)


@jax.jit
def kernel(x, edge_index, W1, b1, W2, b2, bn_gamma, bn_beta):
    pad = EP - E
    epad = jnp.concatenate(
        [edge_index, jnp.full((2, pad), N_PAD - 1, jnp.int32)], axis=1)
    eidx = epad.reshape(2, NBLK, NB, CH).swapaxes(0, 1)
    zeros = jnp.zeros((ROWS_PER_TILE, DH), jnp.float32)

    agg2 = _sc_aggregate()(x, eidx, zeros)

    out = pl.pallas_call(
        _tc_body,
        out_shape=jax.ShapeDtypeStruct((N, D), jnp.float32),
    )(x, agg2, W1, b1.reshape(1, D), W2, b2.reshape(1, D),
      bn_gamma.reshape(1, D), bn_beta.reshape(1, D))
    return out

# --- scband reference (transcript-rebuilt; emitter-appended) ---
"""Pipeline reference for scband-graph-gin-bn-36850819400347 (READ-ONLY COPY).

The authoritative reference and input builder live on the scoring server;
editing this copy changes nothing except your own understanding.
"""

import jax, jax.numpy as jnp
import numpy as np

N = 10000
E = 320000
D = 128

def setup_inputs(seed: int = 0) -> dict:
    key = jax.random.key(seed)
    ks = jax.random.split(key, 8)
    x = jax.random.normal(ks[0], (N, D), dtype=jnp.float32)
    edge_index = jax.random.randint(ks[1], (2, E), 0, N, dtype=jnp.int32)
    # GIN MLP params: Linear(D, D) -> ReLU -> Linear(D, D)
    W1 = jax.random.normal(ks[2], (D, D), dtype=jnp.float32) * 0.05
    b1 = jnp.zeros((D,), dtype=jnp.float32)
    W2 = jax.random.normal(ks[3], (D, D), dtype=jnp.float32) * 0.05
    b2 = jnp.zeros((D,), dtype=jnp.float32)
    # BatchNorm1d affine params
    bn_gamma = jnp.ones((D,), dtype=jnp.float32)
    bn_beta = jnp.zeros((D,), dtype=jnp.float32)
    return {"x": x, "edge_index": edge_index, "W1": W1, "b1": b1, "W2": W2, "b2": b2, "bn_gamma": bn_gamma, "bn_beta": bn_beta}

def reference(x, edge_index, W1, b1, W2, b2, bn_gamma, bn_beta):
    # GINConv (eps=0, train_eps=False): h_i = MLP((1+eps)*x_i + sum_{j in N(i)} x_j)
    src = edge_index[0]
    dst = edge_index[1]
    agg = jnp.zeros_like(x).at[dst].add(x[src])  # scatter-add of gathered neighbor feats
    h = (1.0 + 0.0) * x + agg
    # MLP: Linear -> ReLU -> Linear
    h = jnp.maximum(h @ W1 + b1, 0.0)
    h = h @ W2 + b2
    # BatchNorm1d in training mode (batch statistics, biased variance)
    mean = jnp.mean(h, axis=0)
    var = jnp.var(h, axis=0)
    hn = (h - mean) / jnp.sqrt(var + 1e-5)
    hn = hn * bn_gamma + bn_beta
    # Final ReLU
    out = jnp.maximum(hn, 0.0)
    return out

if __name__ == "__main__":
    import jax
    _d = setup_inputs()
    print(jax.jit(kernel)(*tuple(_d.values())))

</pallas_src>

<mosaic_0001>
#map = affine_map<(d0, d1) -> (0, 0)>
#map1 = affine_map<(d0, d1) -> (0, 0, 0, 0)>
#map2 = affine_map<(d0, d1) -> (0, 0, 0)>
module attributes {stable_mosaic.version = 14 : i64} {
  func.func @sc_agg(%arg0: i32, %arg1: i32, %arg2: memref<10000x128xf32, #tpu.memory_space<hbm>>, %arg3: memref<1280x2x2x128xi32, #tpu.memory_space<hbm>>, %arg4: memref<632x64xf32, #tpu.memory_space<hbm>>, %arg5: memref<2x10000x64xf32, #tpu.memory_space<hbm>>, %arg6: memref<2x2x2x128xi32, #tpu.memory_space<vmem>>, %arg7: memref<2x2x128x64xf32, #tpu.memory_space<vmem>>, %arg8: memref<10112x64xf32, #tpu.memory_space<vmem_shared>>, %arg9: memref<10112x64xf32, #tpu.memory_space<vmem_shared>>, %arg10: memref<!tpu.dma_semaphore, #tpu.memory_space<semaphore_mem>>, %arg11: memref<!tpu.dma_semaphore, #tpu.memory_space<semaphore_mem>>, %arg12: memref<!tpu.dma_semaphore, #tpu.memory_space<semaphore_mem>>, %arg13: memref<!tpu.dma_semaphore, #tpu.memory_space<semaphore_mem>>) attributes {dimension_semantics = [#tpu.dimension_semantics<core_parallel>, #tpu.dimension_semantics<subcore_parallel>], iteration_bounds = array<i64: 2, 16>, scalar_prefetch = 0 : i64, scratch_operands = 8 : i64, tpu.core_type = #tpu.core_type<sc_vector_subcore>, window_params = [{transform_indices = #map}, {transform_indices = #map1}, {transform_indices = #map}, {transform_indices = #map2}]} {
    %mul3A = arith.constant 632 : i32
    %mul3A_0 = arith.muli %arg1, %mul3A : i32
    %mul3A_1 = arith.constant 80 : i32
    %mul3A_2 = arith.muli %arg1, %mul3A_1 : i32
    "tpu.region"() ({
      %run_scoped3A_86 = tpu.sem_alloc : memref<!tpu.dma_semaphore, #tpu.memory_space<semaphore_mem>>
      %dma_start3A_87 = arith.constant 0 : i32
      %dma_start3A_88 = tpu.memref_slice %arg8[%mul3A_0, %dma_start3A_87] : memref<10112x64xf32, #tpu.memory_space<vmem_shared>> -> memref<632x64xf32, #tpu.memory_space<vmem_shared>>
      tpu.enqueue_dma source(%arg4 : memref<632x64xf32, #tpu.memory_space<hbm>>) target(%dma_start3A_88 : memref<632x64xf32, #tpu.memory_space<vmem_shared>>) target_semaphore(%run_scoped3A_86 : memref<!tpu.dma_semaphore, #tpu.memory_space<semaphore_mem>>)
      %dma_wait3A_89 = arith.constant 0 : i32
      %dma_wait3A_90 = tpu.memref_slice %arg8[%mul3A_0, %dma_wait3A_89] : memref<10112x64xf32, #tpu.memory_space<vmem_shared>> -> memref<632x64xf32, #tpu.memory_space<vmem_shared>>
      tpu.wait_dma2 semaphore(%run_scoped3A_86 : memref<!tpu.dma_semaphore, #tpu.memory_space<semaphore_mem>>) src(%arg4 : memref<632x64xf32, #tpu.memory_space<hbm>>) dst(%dma_wait3A_90 : memref<632x64xf32, #tpu.memory_space<vmem_shared>>)
      tpu.yield
    }) : () -> ()
    %lt3A = arith.constant 15 : i32
    %lt3A_3 = arith.cmpi slt, %arg1, %lt3A : i32
    %convert_element_type3A = arith.extui %lt3A_3 : i1 to i32
    %cond3A = arith.constant 0 : i32
    %cond3A_4 = arith.cmpi ne, %convert_element_type3A, %cond3A : i32
    scf.if %cond3A_4 {
      %mul3A_86 = arith.constant 64 : i32
      %mul3A_87 = arith.muli %arg0, %mul3A_86 : i32
      "tpu.region"() ({
        %run_scoped3A_88 = tpu.sem_alloc : memref<!tpu.dma_semaphore, #tpu.memory_space<semaphore_mem>>
        %dma_start3A_89 = arith.constant 0 : i32
        %dma_start3A_90 = tpu.memref_slice %arg9[%mul3A_0, %dma_start3A_89] : memref<10112x64xf32, #tpu.memory_space<vmem_shared>> -> memref<632x64xf32, #tpu.memory_space<vmem_shared>>
        %dma_start3A_91 = tpu.memref_slice %arg2[%mul3A_0, %mul3A_87] : memref<10000x128xf32, #tpu.memory_space<hbm>> -> memref<632x64xf32, #tpu.memory_space<hbm>>
        tpu.enqueue_dma source(%dma_start3A_91 : memref<632x64xf32, #tpu.memory_space<hbm>>) target(%dma_start3A_90 : memref<632x64xf32, #tpu.memory_space<vmem_shared>>) target_semaphore(%run_scoped3A_88 : memref<!tpu.dma_semaphore, #tpu.memory_space<semaphore_mem>>)
        %dma_wait3A_92 = arith.constant 0 : i32
        %dma_wait3A_93 = tpu.memref_slice %arg9[%mul3A_0, %dma_wait3A_92] : memref<10112x64xf32, #tpu.memory_space<vmem_shared>> -> memref<632x64xf32, #tpu.memory_space<vmem_shared>>
        %dma_wait3A_94 = tpu.memref_slice %arg2[%mul3A_0, %mul3A_87] : memref<10000x128xf32, #tpu.memory_space<hbm>> -> memref<632x64xf32, #tpu.memory_space<hbm>>
        tpu.wait_dma2 semaphore(%run_scoped3A_88 : memref<!tpu.dma_semaphore, #tpu.memory_space<semaphore_mem>>) src(%dma_wait3A_94 : memref<632x64xf32, #tpu.memory_space<hbm>>) dst(%dma_wait3A_93 : memref<632x64xf32, #tpu.memory_space<vmem_shared>>)
        tpu.yield
      }) : () -> ()
    } else {
    }
    %eq3A = arith.constant 15 : i32
    %eq3A_5 = arith.cmpi eq, %arg1, %eq3A : i32
    %convert_element_type3A_6 = arith.extui %eq3A_5 : i1 to i32
    %cond3A_7 = arith.constant 0 : i32
    %cond3A_8 = arith.cmpi ne, %convert_element_type3A_6, %cond3A_7 : i32
    scf.if %cond3A_8 {
      %mul3A_86 = arith.constant 64 : i32
      %mul3A_87 = arith.muli %arg0, %mul3A_86 : i32
      "tpu.region"() ({
        %run_scoped3A_88 = tpu.sem_alloc : memref<!tpu.dma_semaphore, #tpu.memory_space<semaphore_mem>>
        %dma_start3A_89 = arith.constant 9480 : i32
        %dma_start3A_90 = arith.constant 0 : i32
        %dma_start3A_91 = tpu.memref_slice %arg9[%dma_start3A_89, %dma_start3A_90] : memref<10112x64xf32, #tpu.memory_space<vmem_shared>> -> memref<520x64xf32, #tpu.memory_space<vmem_shared>>
        %dma_start3A_92 = arith.constant 9480 : i32
        %dma_start3A_93 = tpu.memref_slice %arg2[%dma_start3A_92, %mul3A_87] : memref<10000x128xf32, #tpu.memory_space<hbm>> -> memref<520x64xf32, #tpu.memory_space<hbm>>
        tpu.enqueue_dma source(%dma_start3A_93 : memref<520x64xf32, #tpu.memory_space<hbm>>) target(%dma_start3A_91 : memref<520x64xf32, #tpu.memory_space<vmem_shared>>) target_semaphore(%run_scoped3A_88 : memref<!tpu.dma_semaphore, #tpu.memory_space<semaphore_mem>>)
        %dma_wait3A_94 = arith.constant 9480 : i32
        %dma_wait3A_95 = arith.constant 0 : i32
        %dma_wait3A_96 = tpu.memref_slice %arg9[%dma_wait3A_94, %dma_wait3A_95] : memref<10112x64xf32, #tpu.memory_space<vmem_shared>> -> memref<520x64xf32, #tpu.memory_space<vmem_shared>>
        %dma_wait3A_97 = arith.constant 9480 : i32
        %dma_wait3A_98 = tpu.memref_slice %arg2[%dma_wait3A_97, %mul3A_87] : memref<10000x128xf32, #tpu.memory_space<hbm>> -> memref<520x64xf32, #tpu.memory_space<hbm>>
        tpu.wait_dma2 semaphore(%run_scoped3A_88 : memref<!tpu.dma_semaphore, #tpu.memory_space<semaphore_mem>>) src(%dma_wait3A_98 : memref<520x64xf32, #tpu.memory_space<hbm>>) dst(%dma_wait3A_96 : memref<520x64xf32, #tpu.memory_space<vmem_shared>>)
        tpu.yield
      }) : () -> ()
      "tpu.region"() ({
        %run_scoped3A_88 = tpu.sem_alloc : memref<!tpu.dma_semaphore, #tpu.memory_space<semaphore_mem>>
        %dma_start3A_89 = arith.constant 10000 : i32
        %dma_start3A_90 = arith.constant 0 : i32
        %dma_start3A_91 = tpu.memref_slice %arg9[%dma_start3A_89, %dma_start3A_90] : memref<10112x64xf32, #tpu.memory_space<vmem_shared>> -> memref<112x64xf32, #tpu.memory_space<vmem_shared>>
        %dma_start3A_92 = arith.constant 0 : i32
        %dma_start3A_93 = arith.constant 0 : i32
        %dma_start3A_94 = tpu.memref_slice %arg4[%dma_start3A_92, %dma_start3A_93] : memref<632x64xf32, #tpu.memory_space<hbm>> -> memref<112x64xf32, #tpu.memory_space<hbm>>
        tpu.enqueue_dma source(%dma_start3A_94 : memref<112x64xf32, #tpu.memory_space<hbm>>) target(%dma_start3A_91 : memref<112x64xf32, #tpu.memory_space<vmem_shared>>) target_semaphore(%run_scoped3A_88 : memref<!tpu.dma_semaphore, #tpu.memory_space<semaphore_mem>>)
        %dma_wait3A_95 = arith.constant 10000 : i32
        %dma_wait3A_96 = arith.constant 0 : i32
        %dma_wait3A_97 = tpu.memref_slice %arg9[%dma_wait3A_95, %dma_wait3A_96] : memref<10112x64xf32, #tpu.memory_space<vmem_shared>> -> memref<112x64xf32, #tpu.memory_space<vmem_shared>>
        %dma_wait3A_98 = arith.constant 0 : i32
        %dma_wait3A_99 = arith.constant 0 : i32
        %dma_wait3A_100 = tpu.memref_slice %arg4[%dma_wait3A_98, %dma_wait3A_99] : memref<632x64xf32, #tpu.memory_space<hbm>> -> memref<112x64xf32, #tpu.memory_space<hbm>>
        tpu.wait_dma2 semaphore(%run_scoped3A_88 : memref<!tpu.dma_semaphore, #tpu.memory_space<semaphore_mem>>) src(%dma_wait3A_100 : memref<112x64xf32, #tpu.memory_space<hbm>>) dst(%dma_wait3A_97 : memref<112x64xf32, #tpu.memory_space<vmem_shared>>)
        tpu.yield
      }) : () -> ()
    } else {
    }
    %barrier3A = arith.constant 0 : index
    tpu.barrier barrier_id(%barrier3A)
    %run_scoped3A = arith.constant 0 : i32
    "tpu.region"() ({
      %run_scoped3A_86 = tpu.sem_alloc : memref<!tpu.dma_semaphore, #tpu.memory_space<semaphore_mem>>
      %dma_start3A_87 = arith.constant 0 : i32
      %dma_start3A_88 = arith.constant 0 : i32
      %dma_start3A_89 = arith.constant 0 : i32
      %dma_start3A_90 = tpu.memref_slice %arg6[%run_scoped3A, %dma_start3A_87, %dma_start3A_88, %dma_start3A_89] : memref<2x2x2x128xi32, #tpu.memory_space<vmem>> -> memref<1x2x2x128xi32, #tpu.memory_space<vmem>>
      %dma_start3A_91 = tpu.memref_squeeze %dma_start3A_90 : memref<1x2x2x128xi32, #tpu.memory_space<vmem>> -> memref<2x2x128xi32, #tpu.memory_space<vmem>>
      %dma_start3A_92 = arith.constant 0 : i32
      %dma_start3A_93 = arith.constant 0 : i32
      %dma_start3A_94 = arith.constant 0 : i32
      %dma_start3A_95 = tpu.memref_slice %arg3[%mul3A_2, %dma_start3A_92, %dma_start3A_93, %dma_start3A_94] : memref<1280x2x2x128xi32, #tpu.memory_space<hbm>> -> memref<1x2x2x128xi32, #tpu.memory_space<hbm>>
      %dma_start3A_96 = tpu.memref_squeeze %dma_start3A_95 : memref<1x2x2x128xi32, #tpu.memory_space<hbm>> -> memref<2x2x128xi32, #tpu.memory_space<hbm>>
      %dma_start3A_97 = arith.constant 0 : i32
      %dma_start3A_98 = arith.constant 0 : i32
      %dma_start3A_99 = arith.constant 0 : i32
      %dma_start3A_100 = tpu.memref_slice %arg6[%run_scoped3A, %dma_start3A_97, %dma_start3A_98, %dma_start3A_99] : memref<2x2x2x128xi32, #tpu.memory_space<vmem>> -> memref<1x2x2x128xi32, #tpu.memory_space<vmem>>
      %dma_start3A_101 = tpu.memref_squeeze %dma_start3A_100 : memref<1x2x2x128xi32, #tpu.memory_space<vmem>> -> memref<2x2x128xi32, #tpu.memory_space<vmem>>
      %dma_start3A_102 = arith.constant 0 : i32
      %dma_start3A_103 = arith.constant 0 : i32
      %dma_start3A_104 = arith.constant 0 : i32
      %dma_start3A_105 = tpu.memref_slice %arg3[%mul3A_2, %dma_start3A_102, %dma_start3A_103, %dma_start3A_104] : memref<1280x2x2x128xi32, #tpu.memory_space<hbm>> -> memref<1x2x2x128xi32, #tpu.memory_space<hbm>>
      %dma_start3A_106 = tpu.memref_squeeze %dma_start3A_105 : memref<1x2x2x128xi32, #tpu.memory_space<hbm>> -> memref<2x2x128xi32, #tpu.memory_space<hbm>>
      tpu.enqueue_dma source(%dma_start3A_106 : memref<2x2x128xi32, #tpu.memory_space<hbm>>) target(%dma_start3A_101 : memref<2x2x128xi32, #tpu.memory_space<vmem>>) target_semaphore(%run_scoped3A_86 : memref<!tpu.dma_semaphore, #tpu.memory_space<semaphore_mem>>)
      %dma_wait3A_107 = arith.constant 0 : i32
      %dma_wait3A_108 = arith.constant 0 : i32
      %dma_wait3A_109 = arith.constant 0 : i32
      %dma_wait3A_110 = tpu.memref_slice %arg6[%run_scoped3A, %dma_wait3A_107, %dma_wait3A_108, %dma_wait3A_109] : memref<2x2x2x128xi32, #tpu.memory_space<vmem>> -> memref<1x2x2x128xi32, #tpu.memory_space<vmem>>
      %dma_wait3A_111 = tpu.memref_squeeze %dma_wait3A_110 : memref<1x2x2x128xi32, #tpu.memory_space<vmem>> -> memref<2x2x128xi32, #tpu.memory_space<vmem>>
      %dma_wait3A_112 = arith.constant 0 : i32
      %dma_wait3A_113 = arith.constant 0 : i32
      %dma_wait3A_114 = arith.constant 0 : i32
      %dma_wait3A_115 = tpu.memref_slice %arg3[%mul3A_2, %dma_wait3A_112, %dma_wait3A_113, %dma_wait3A_114] : memref<1280x2x2x128xi32, #tpu.memory_space<hbm>> -> memref<1x2x2x128xi32, #tpu.memory_space<hbm>>
      %dma_wait3A_116 = tpu.memref_squeeze %dma_wait3A_115 : memref<1x2x2x128xi32, #tpu.memory_space<hbm>> -> memref<2x2x128xi32, #tpu.memory_space<hbm>>
      %dma_wait3A_117 = arith.constant 0 : i32
      %dma_wait3A_118 = arith.constant 0 : i32
      %dma_wait3A_119 = arith.constant 0 : i32
      %dma_wait3A_120 = tpu.memref_slice %arg6[%run_scoped3A, %dma_wait3A_117, %dma_wait3A_118, %dma_wait3A_119] : memref<2x2x2x128xi32, #tpu.memory_space<vmem>> -> memref<1x2x2x128xi32, #tpu.memory_space<vmem>>
      %dma_wait3A_121 = tpu.memref_squeeze %dma_wait3A_120 : memref<1x2x2x128xi32, #tpu.memory_space<vmem>> -> memref<2x2x128xi32, #tpu.memory_space<vmem>>
      %dma_wait3A_122 = arith.constant 0 : i32
      %dma_wait3A_123 = arith.constant 0 : i32
      %dma_wait3A_124 = arith.constant 0 : i32
      %dma_wait3A_125 = tpu.memref_slice %arg3[%mul3A_2, %dma_wait3A_122, %dma_wait3A_123, %dma_wait3A_124] : memref<1280x2x2x128xi32, #tpu.memory_space<hbm>> -> memref<1x2x2x128xi32, #tpu.memory_space<hbm>>
      %dma_wait3A_126 = tpu.memref_squeeze %dma_wait3A_125 : memref<1x2x2x128xi32, #tpu.memory_space<hbm>> -> memref<2x2x128xi32, #tpu.memory_space<hbm>>
      tpu.wait_dma2 semaphore(%run_scoped3A_86 : memref<!tpu.dma_semaphore, #tpu.memory_space<semaphore_mem>>) src(%dma_wait3A_126 : memref<2x2x128xi32, #tpu.memory_space<hbm>>) dst(%dma_wait3A_121 : memref<2x2x128xi32, #tpu.memory_space<vmem>>)
      tpu.yield
    }) : () -> ()
    %dma_start3A = arith.constant 0 : i32
    %dma_start3A_9 = arith.constant 0 : i32
    %dma_start3A_10 = arith.constant 0 : i32
    %dma_start3A_11 = arith.constant 0 : i32
    %dma_start3A_12 = arith.constant 0 : i32
    %dma_start3A_13 = arith.constant 0 : i32
    %dma_start3A_14 = arith.constant 0 : i32
    %dma_start3A_15 = tpu.memref_slice %arg7[%dma_start3A_11, %dma_start3A_12, %dma_start3A_13, %dma_start3A_14] : memref<2x2x128x64xf32, #tpu.memory_space<vmem>> -> memref<1x1x128x64xf32, #tpu.memory_space<vmem>>
    %dma_start3A_16 = tpu.memref_squeeze %dma_start3A_15 : memref<1x1x128x64xf32, #tpu.memory_space<vmem>> -> memref<128x64xf32, #tpu.memory_space<vmem>>
    %dma_start3A_17 = arith.constant 0 : i32
    %dma_start3A_18 = tpu.memref_slice %arg6[%dma_start3A, %dma_start3A_9, %dma_start3A_10, %dma_start3A_17] : memref<2x2x2x128xi32, #tpu.memory_space<vmem>> -> memref<1x1x1x128xi32, #tpu.memory_space<vmem>>
    %dma_start3A_19 = tpu.memref_squeeze %dma_start3A_18 : memref<1x1x1x128xi32, #tpu.memory_space<vmem>> -> memref<128xi32, #tpu.memory_space<vmem>>
    %dma_start3A_20 = arith.constant 0 : i32
    %dma_start3A_21 = arith.constant 0 : i32
    %dma_start3A_22 = tpu.memref_slice %arg9[%dma_start3A_20, %dma_start3A_21] : memref<10112x64xf32, #tpu.memory_space<vmem_shared>> -> memref<10112x64xf32, #tpu.memory_space<vmem_shared>>
    tpu.enqueue_indirect_dma source(%dma_start3A_22 : memref<10112x64xf32, #tpu.memory_space<vmem_shared>>) target(%dma_start3A_16 : memref<128x64xf32, #tpu.memory_space<vmem>>) offsets(%dma_start3A_19 : memref<128xi32, #tpu.memory_space<vmem>>) semaphore(%arg10 : memref<!tpu.dma_semaphore, #tpu.memory_space<semaphore_mem>>)
    %dma_start3A_23 = arith.constant 0 : i32
    %dma_start3A_24 = arith.constant 0 : i32
    %dma_start3A_25 = arith.constant 1 : i32
    %dma_start3A_26 = arith.constant 0 : i32
    %dma_start3A_27 = arith.constant 1 : i32
    %dma_start3A_28 = arith.constant 0 : i32
    %dma_start3A_29 = arith.constant 0 : i32
    %dma_start3A_30 = tpu.memref_slice %arg7[%dma_start3A_26, %dma_start3A_27, %dma_start3A_28, %dma_start3A_29] : memref<2x2x128x64xf32, #tpu.memory_space<vmem>> -> memref<1x1x128x64xf32, #tpu.memory_space<vmem>>
    %dma_start3A_31 = tpu.memref_squeeze %dma_start3A_30 : memref<1x1x128x64xf32, #tpu.memory_space<vmem>> -> memref<128x64xf32, #tpu.memory_space<vmem>>
    %dma_start3A_32 = arith.constant 0 : i32
    %dma_start3A_33 = tpu.memref_slice %arg6[%dma_start3A_23, %dma_start3A_24, %dma_start3A_25, %dma_start3A_32] : memref<2x2x2x128xi32, #tpu.memory_space<vmem>> -> memref<1x1x1x128xi32, #tpu.memory_space<vmem>>
    %dma_start3A_34 = tpu.memref_squeeze %dma_start3A_33 : memref<1x1x1x128xi32, #tpu.memory_space<vmem>> -> memref<128xi32, #tpu.memory_space<vmem>>
    %dma_start3A_35 = arith.constant 0 : i32
    %dma_start3A_36 = arith.constant 0 : i32
    %dma_start3A_37 = tpu.memref_slice %arg9[%dma_start3A_35, %dma_start3A_36] : memref<10112x64xf32, #tpu.memory_space<vmem_shared>> -> memref<10112x64xf32, #tpu.memory_space<vmem_shared>>
    tpu.enqueue_indirect_dma source(%dma_start3A_37 : memref<10112x64xf32, #tpu.memory_space<vmem_shared>>) target(%dma_start3A_31 : memref<128x64xf32, #tpu.memory_space<vmem>>) offsets(%dma_start3A_34 : memref<128xi32, #tpu.memory_space<vmem>>) semaphore(%arg10 : memref<!tpu.dma_semaphore, #tpu.memory_space<semaphore_mem>>)
    %scan3A = arith.constant 0 : i32
    %scan3A_38 = arith.constant 0 : i32
    %scan3A_39 = arith.constant 40 : i32
    %scan3A_40 = arith.addi %scan3A_38, %scan3A_39 : i32
    %scan3A_41 = arith.constant 1 : i32
    scf.for %scan3A_86 = %scan3A_38 to %scan3A_40 step %scan3A_41  : i32 {
      %dma_wait3A_87 = arith.constant 0 : i32
      %dma_wait3A_88 = arith.constant 0 : i32
      %dma_wait3A_89 = arith.constant 0 : i32
      %dma_wait3A_90 = arith.constant 0 : i32
      %dma_wait3A_91 = arith.constant 0 : i32
      %dma_wait3A_92 = arith.constant 0 : i32
      %dma_wait3A_93 = arith.constant 0 : i32
      %dma_wait3A_94 = tpu.memref_slice %arg7[%dma_wait3A_90, %dma_wait3A_91, %dma_wait3A_92, %dma_wait3A_93] : memref<2x2x128x64xf32, #tpu.memory_space<vmem>> -> memref<1x1x128x64xf32, #tpu.memory_space<vmem>>
      %dma_wait3A_95 = tpu.memref_squeeze %dma_wait3A_94 : memref<1x1x128x64xf32, #tpu.memory_space<vmem>> -> memref<128x64xf32, #tpu.memory_space<vmem>>
      %dma_wait3A_96 = arith.constant 0 : i32
      %dma_wait3A_97 = tpu.memref_slice %arg6[%dma_wait3A_87, %dma_wait3A_88, %dma_wait3A_89, %dma_wait3A_96] : memref<2x2x2x128xi32, #tpu.memory_space<vmem>> -> memref<1x1x1x128xi32, #tpu.memory_space<vmem>>
      %dma_wait3A_98 = tpu.memref_squeeze %dma_wait3A_97 : memref<1x1x1x128xi32, #tpu.memory_space<vmem>> -> memref<128xi32, #tpu.memory_space<vmem>>
      %dma_wait3A_99 = arith.constant 0 : i32
      %dma_wait3A_100 = arith.constant 0 : i32
      %dma_wait3A_101 = tpu.memref_slice %arg9[%dma_wait3A_99, %dma_wait3A_100] : memref<10112x64xf32, #tpu.memory_space<vmem_shared>> -> memref<10112x64xf32, #tpu.memory_space<vmem_shared>>
      tpu.wait_indirect_dma semaphore(%arg10 : memref<!tpu.dma_semaphore, #tpu.memory_space<semaphore_mem>>) src(%dma_wait3A_101 : memref<10112x64xf32, #tpu.memory_space<vmem_shared>>) dst(%dma_wait3A_95 : memref<128x64xf32, #tpu.memory_space<vmem>>)
      %dma_wait3A_102 = arith.constant 0 : i32
      %dma_wait3A_103 = arith.constant 0 : i32
      %dma_wait3A_104 = arith.constant 1 : i32
      %dma_wait3A_105 = arith.constant 0 : i32
      %dma_wait3A_106 = arith.constant 1 : i32
      %dma_wait3A_107 = arith.constant 0 : i32
      %dma_wait3A_108 = arith.constant 0 : i32
      %dma_wait3A_109 = tpu.memref_slice %arg7[%dma_wait3A_105, %dma_wait3A_106, %dma_wait3A_107, %dma_wait3A_108] : memref<2x2x128x64xf32, #tpu.memory_space<vmem>> -> memref<1x1x128x64xf32, #tpu.memory_space<vmem>>
      %dma_wait3A_110 = tpu.memref_squeeze %dma_wait3A_109 : memref<1x1x128x64xf32, #tpu.memory_space<vmem>> -> memref<128x64xf32, #tpu.memory_space<vmem>>
      %dma_wait3A_111 = arith.constant 0 : i32
      %dma_wait3A_112 = tpu.memref_slice %arg6[%dma_wait3A_102, %dma_wait3A_103, %dma_wait3A_104, %dma_wait3A_111] : memref<2x2x2x128xi32, #tpu.memory_space<vmem>> -> memref<1x1x1x128xi32, #tpu.memory_space<vmem>>
      %dma_wait3A_113 = tpu.memref_squeeze %dma_wait3A_112 : memref<1x1x1x128xi32, #tpu.memory_space<vmem>> -> memref<128xi32, #tpu.memory_space<vmem>>
      %dma_wait3A_114 = arith.constant 0 : i32
      %dma_wait3A_115 = arith.constant 0 : i32
      %dma_wait3A_116 = tpu.memref_slice %arg9[%dma_wait3A_114, %dma_wait3A_115] : memref<10112x64xf32, #tpu.memory_space<vmem_shared>> -> memref<10112x64xf32, #tpu.memory_space<vmem_shared>>
      tpu.wait_indirect_dma semaphore(%arg10 : memref<!tpu.dma_semaphore, #tpu.memory_space<semaphore_mem>>) src(%dma_wait3A_116 : memref<10112x64xf32, #tpu.memory_space<vmem_shared>>) dst(%dma_wait3A_110 : memref<128x64xf32, #tpu.memory_space<vmem>>)
      %gt3A_117 = arith.constant 0 : i32
      %gt3A_118 = arith.cmpi sgt, %scan3A_86, %gt3A_117 : i32
      %convert_element_type3A_119 = arith.extui %gt3A_118 : i1 to i32
      %cond3A_120 = arith.constant 0 : i32
      %cond3A_121 = arith.cmpi ne, %convert_element_type3A_119, %cond3A_120 : i32
      scf.if %cond3A_121 {
        %dma_wait3A_283 = arith.constant 1 : i32
        %dma_wait3A_284 = arith.constant 0 : i32
        %dma_wait3A_285 = arith.constant 1 : i32
        %dma_wait3A_286 = arith.constant 1 : i32
        %dma_wait3A_287 = arith.constant 0 : i32
        %dma_wait3A_288 = arith.constant 0 : i32
        %dma_wait3A_289 = arith.constant 0 : i32
        %dma_wait3A_290 = tpu.memref_slice %arg7[%dma_wait3A_283, %dma_wait3A_284, %dma_wait3A_288, %dma_wait3A_289] : memref<2x2x128x64xf32, #tpu.memory_space<vmem>> -> memref<1x1x128x64xf32, #tpu.memory_space<vmem>>
        %dma_wait3A_291 = tpu.memref_squeeze %dma_wait3A_290 : memref<1x1x128x64xf32, #tpu.memory_space<vmem>> -> memref<128x64xf32, #tpu.memory_space<vmem>>
        %dma_wait3A_292 = arith.constant 0 : i32
        %dma_wait3A_293 = tpu.memref_slice %arg6[%dma_wait3A_285, %dma_wait3A_286, %dma_wait3A_287, %dma_wait3A_292] : memref<2x2x2x128xi32, #tpu.memory_space<vmem>> -> memref<1x1x1x128xi32, #tpu.memory_space<vmem>>
        %dma_wait3A_294 = tpu.memref_squeeze %dma_wait3A_293 : memref<1x1x1x128xi32, #tpu.memory_space<vmem>> -> memref<128xi32, #tpu.memory_space<vmem>>
        %dma_wait3A_295 = arith.constant 0 : i32
        %dma_wait3A_296 = arith.constant 0 : i32
        %dma_wait3A_297 = tpu.memref_slice %arg8[%dma_wait3A_295, %dma_wait3A_296] : memref<10112x64xf32, #tpu.memory_space<vmem_shared>> -> memref<10112x64xf32, #tpu.memory_space<vmem_shared>>
        tpu.wait_indirect_dma semaphore(%arg13 : memref<!tpu.dma_semaphore, #tpu.memory_space<semaphore_mem>>) src(%dma_wait3A_291 : memref<128x64xf32, #tpu.memory_space<vmem>>) dst(%dma_wait3A_297 : memref<10112x64xf32, #tpu.memory_space<vmem_shared>>)
        %dma_wait3A_298 = arith.constant 1 : i32
        %dma_wait3A_299 = arith.constant 1 : i32
        %dma_wait3A_300 = arith.constant 1 : i32
        %dma_wait3A_301 = arith.constant 1 : i32
        %dma_wait3A_302 = arith.constant 1 : i32
        %dma_wait3A_303 = arith.constant 0 : i32
        %dma_wait3A_304 = arith.constant 0 : i32
        %dma_wait3A_305 = tpu.memref_slice %arg7[%dma_wait3A_298, %dma_wait3A_299, %dma_wait3A_303, %dma_wait3A_304] : memref<2x2x128x64xf32, #tpu.memory_space<vmem>> -> memref<1x1x128x64xf32, #tpu.memory_space<vmem>>
        %dma_wait3A_306 = tpu.memref_squeeze %dma_wait3A_305 : memref<1x1x128x64xf32, #tpu.memory_space<vmem>> -> memref<128x64xf32, #tpu.memory_space<vmem>>
        %dma_wait3A_307 = arith.constant 0 : i32
        %dma_wait3A_308 = tpu.memref_slice %arg6[%dma_wait3A_300, %dma_wait3A_301, %dma_wait3A_302, %dma_wait3A_307] : memref<2x2x2x128xi32, #tpu.memory_space<vmem>> -> memref<1x1x1x128xi32, #tpu.memory_space<vmem>>
        %dma_wait3A_309 = tpu.memref_squeeze %dma_wait3A_308 : memref<1x1x1x128xi32, #tpu.memory_space<vmem>> -> memref<128xi32, #tpu.memory_space<vmem>>
        %dma_wait3A_310 = arith.constant 0 : i32
        %dma_wait3A_311 = arith.constant 0 : i32
        %dma_wait3A_312 = tpu.memref_slice %arg8[%dma_wait3A_310, %dma_wait3A_311] : memref<10112x64xf32, #tpu.memory_space<vmem_shared>> -> memref<10112x64xf32, #tpu.memory_space<vmem_shared>>
        tpu.wait_indirect_dma semaphore(%arg13 : memref<!tpu.dma_semaphore, #tpu.memory_space<semaphore_mem>>) src(%dma_wait3A_306 : memref<128x64xf32, #tpu.memory_space<vmem>>) dst(%dma_wait3A_312 : memref<10112x64xf32, #tpu.memory_space<vmem_shared>>)
      } else {
      }
      %mul3A_122 = arith.constant 2 : i32
      %mul3A_123 = arith.muli %mul3A_122, %scan3A_86 : i32
      %add3A_124 = arith.addi %mul3A_2, %mul3A_123 : i32
      %add3A_125 = arith.constant 1 : i32
      %add3A_126 = arith.addi %add3A_124, %add3A_125 : i32
      %run_scoped3A_127 = arith.constant 1 : i32
      "tpu.region"() ({
        %run_scoped3A_283 = tpu.sem_alloc : memref<!tpu.dma_semaphore, #tpu.memory_space<semaphore_mem>>
        %dma_start3A_284 = arith.constant 0 : i32
        %dma_start3A_285 = arith.constant 0 : i32
        %dma_start3A_286 = arith.constant 0 : i32
        %dma_start3A_287 = tpu.memref_slice %arg6[%run_scoped3A_127, %dma_start3A_284, %dma_start3A_285, %dma_start3A_286] : memref<2x2x2x128xi32, #tpu.memory_space<vmem>> -> memref<1x2x2x128xi32, #tpu.memory_space<vmem>>
        %dma_start3A_288 = tpu.memref_squeeze %dma_start3A_287 : memref<1x2x2x128xi32, #tpu.memory_space<vmem>> -> memref<2x2x128xi32, #tpu.memory_space<vmem>>
        %dma_start3A_289 = arith.constant 0 : i32
        %dma_start3A_290 = arith.constant 0 : i32
        %dma_start3A_291 = arith.constant 0 : i32
        %dma_start3A_292 = tpu.memref_slice %arg3[%add3A_126, %dma_start3A_289, %dma_start3A_290, %dma_start3A_291] : memref<1280x2x2x128xi32, #tpu.memory_space<hbm>> -> memref<1x2x2x128xi32, #tpu.memory_space<hbm>>
        %dma_start3A_293 = tpu.memref_squeeze %dma_start3A_292 : memref<1x2x2x128xi32, #tpu.memory_space<hbm>> -> memref<2x2x128xi32, #tpu.memory_space<hbm>>
        %dma_start3A_294 = arith.constant 0 : i32
        %dma_start3A_295 = arith.constant 0 : i32
        %dma_start3A_296 = arith.constant 0 : i32
        %dma_start3A_297 = tpu.memref_slice %arg6[%run_scoped3A_127, %dma_start3A_294, %dma_start3A_295, %dma_start3A_296] : memref<2x2x2x128xi32, #tpu.memory_space<vmem>> -> memref<1x2x2x128xi32, #tpu.memory_space<vmem>>
        %dma_start3A_298 = tpu.memref_squeeze %dma_start3A_297 : memref<1x2x2x128xi32, #tpu.memory_space<vmem>> -> memref<2x2x128xi32, #tpu.memory_space<vmem>>
        %dma_start3A_299 = arith.constant 0 : i32
        %dma_start3A_300 = arith.constant 0 : i32
        %dma_start3A_301 = arith.constant 0 : i32
        %dma_start3A_302 = tpu.memref_slice %arg3[%add3A_126, %dma_start3A_299, %dma_start3A_300, %dma_start3A_301] : memref<1280x2x2x128xi32, #tpu.memory_space<hbm>> -> memref<1x2x2x128xi32, #tpu.memory_space<hbm>>
        %dma_start3A_303 = tpu.memref_squeeze %dma_start3A_302 : memref<1x2x2x128xi32, #tpu.memory_space<hbm>> -> memref<2x2x128xi32, #tpu.memory_space<hbm>>
        tpu.enqueue_dma source(%dma_start3A_303 : memref<2x2x128xi32, #tpu.memory_space<hbm>>) target(%dma_start3A_298 : memref<2x2x128xi32, #tpu.memory_space<vmem>>) target_semaphore(%run_scoped3A_283 : memref<!tpu.dma_semaphore, #tpu.memory_space<semaphore_mem>>)
        %dma_wait3A_304 = arith.constant 0 : i32
        %dma_wait3A_305 = arith.constant 0 : i32
        %dma_wait3A_306 = arith.constant 0 : i32
        %dma_wait3A_307 = tpu.memref_slice %arg6[%run_scoped3A_127, %dma_wait3A_304, %dma_wait3A_305, %dma_wait3A_306] : memref<2x2x2x128xi32, #tpu.memory_space<vmem>> -> memref<1x2x2x128xi32, #tpu.memory_space<vmem>>
        %dma_wait3A_308 = tpu.memref_squeeze %dma_wait3A_307 : memref<1x2x2x128xi32, #tpu.memory_space<vmem>> -> memref<2x2x128xi32, #tpu.memory_space<vmem>>
        %dma_wait3A_309 = arith.constant 0 : i32
        %dma_wait3A_310 = arith.constant 0 : i32
        %dma_wait3A_311 = arith.constant 0 : i32
        %dma_wait3A_312 = tpu.memref_slice %arg3[%add3A_126, %dma_wait3A_309, %dma_wait3A_310, %dma_wait3A_311] : memref<1280x2x2x128xi32, #tpu.memory_space<hbm>> -> memref<1x2x2x128xi32, #tpu.memory_space<hbm>>
        %dma_wait3A_313 = tpu.memref_squeeze %dma_wait3A_312 : memref<1x2x2x128xi32, #tpu.memory_space<hbm>> -> memref<2x2x128xi32, #tpu.memory_space<hbm>>
        %dma_wait3A_314 = arith.constant 0 : i32
        %dma_wait3A_315 = arith.constant 0 : i32
        %dma_wait3A_316 = arith.constant 0 : i32
        %dma_wait3A_317 = tpu.memref_slice %arg6[%run_scoped3A_127, %dma_wait3A_314, %dma_wait3A_315, %dma_wait3A_316] : memref<2x2x2x128xi32, #tpu.memory_space<vmem>> -> memref<1x2x2x128xi32, #tpu.memory_space<vmem>>
        %dma_wait3A_318 = tpu.memref_squeeze %dma_wait3A_317 : memref<1x2x2x128xi32, #tpu.memory_space<vmem>> -> memref<2x2x128xi32, #tpu.memory_space<vmem>>
        %dma_wait3A_319 = arith.constant 0 : i32
        %dma_wait3A_320 = arith.constant 0 : i32
        %dma_wait3A_321 = arith.constant 0 : i32
        %dma_wait3A_322 = tpu.memref_slice %arg3[%add3A_126, %dma_wait3A_319, %dma_wait3A_320, %dma_wait3A_321] : memref<1280x2x2x128xi32, #tpu.memory_space<hbm>> -> memref<1x2x2x128xi32, #tpu.memory_space<hbm>>
        %dma_wait3A_323 = tpu.memref_squeeze %dma_wait3A_322 : memref<1x2x2x128xi32, #tpu.memory_space<hbm>> -> memref<2x2x128xi32, #tpu.memory_space<hbm>>
        tpu.wait_dma2 semaphore(%run_scoped3A_283 : memref<!tpu.dma_semaphore, #tpu.memory_space<semaphore_mem>>) src(%dma_wait3A_323 : memref<2x2x128xi32, #tpu.memory_space<hbm>>) dst(%dma_wait3A_318 : memref<2x2x128xi32, #tpu.memory_space<vmem>>)
        tpu.yield
      }) : () -> ()
      %dma_start3A_128 = arith.constant 1 : i32
      %dma_start3A_129 = arith.constant 0 : i32
      %dma_start3A_130 = arith.constant 0 : i32
      %dma_start3A_131 = arith.constant 1 : i32
      %dma_start3A_132 = arith.constant 0 : i32
      %dma_start3A_133 = arith.constant 0 : i32
      %dma_start3A_134 = arith.constant 0 : i32
      %dma_start3A_135 = tpu.memref_slice %arg7[%dma_start3A_131, %dma_start3A_132, %dma_start3A_133, %dma_start3A_134] : memref<2x2x128x64xf32, #tpu.memory_space<vmem>> -> memref<1x1x128x64xf32, #tpu.memory_space<vmem>>
      %dma_start3A_136 = tpu.memref_squeeze %dma_start3A_135 : memref<1x1x128x64xf32, #tpu.memory_space<vmem>> -> memref<128x64xf32, #tpu.memory_space<vmem>>
      %dma_start3A_137 = arith.constant 0 : i32
      %dma_start3A_138 = tpu.memref_slice %arg6[%dma_start3A_128, %dma_start3A_129, %dma_start3A_130, %dma_start3A_137] : memref<2x2x2x128xi32, #tpu.memory_space<vmem>> -> memref<1x1x1x128xi32, #tpu.memory_space<vmem>>
      %dma_start3A_139 = tpu.memref_squeeze %dma_start3A_138 : memref<1x1x1x128xi32, #tpu.memory_space<vmem>> -> memref<128xi32, #tpu.memory_space<vmem>>
      %dma_start3A_140 = arith.constant 0 : i32
      %dma_start3A_141 = arith.constant 0 : i32
      %dma_start3A_142 = tpu.memref_slice %arg9[%dma_start3A_140, %dma_start3A_141] : memref<10112x64xf32, #tpu.memory_space<vmem_shared>> -> memref<10112x64xf32, #tpu.memory_space<vmem_shared>>
      tpu.enqueue_indirect_dma source(%dma_start3A_142 : memref<10112x64xf32, #tpu.memory_space<vmem_shared>>) target(%dma_start3A_136 : memref<128x64xf32, #tpu.memory_space<vmem>>) offsets(%dma_start3A_139 : memref<128xi32, #tpu.memory_space<vmem>>) semaphore(%arg11 : memref<!tpu.dma_semaphore, #tpu.memory_space<semaphore_mem>>)
      %dma_start3A_143 = arith.constant 1 : i32
      %dma_start3A_144 = arith.constant 0 : i32
      %dma_start3A_145 = arith.constant 1 : i32
      %dma_start3A_146 = arith.constant 1 : i32
      %dma_start3A_147 = arith.constant 1 : i32
      %dma_start3A_148 = arith.constant 0 : i32
      %dma_start3A_149 = arith.constant 0 : i32
      %dma_start3A_150 = tpu.memref_slice %arg7[%dma_start3A_146, %dma_start3A_147, %dma_start3A_148, %dma_start3A_149] : memref<2x2x128x64xf32, #tpu.memory_space<vmem>> -> memref<1x1x128x64xf32, #tpu.memory_space<vmem>>
      %dma_start3A_151 = tpu.memref_squeeze %dma_start3A_150 : memref<1x1x128x64xf32, #tpu.memory_space<vmem>> -> memref<128x64xf32, #tpu.memory_space<vmem>>
      %dma_start3A_152 = arith.constant 0 : i32
      %dma_start3A_153 = tpu.memref_slice %arg6[%dma_start3A_143, %dma_start3A_144, %dma_start3A_145, %dma_start3A_152] : memref<2x2x2x128xi32, #tpu.memory_space<vmem>> -> memref<1x1x1x128xi32, #tpu.memory_space<vmem>>
      %dma_start3A_154 = tpu.memref_squeeze %dma_start3A_153 : memref<1x1x1x128xi32, #tpu.memory_space<vmem>> -> memref<128xi32, #tpu.memory_space<vmem>>
      %dma_start3A_155 = arith.constant 0 : i32
      %dma_start3A_156 = arith.constant 0 : i32
      %dma_start3A_157 = tpu.memref_slice %arg9[%dma_start3A_155, %dma_start3A_156] : memref<10112x64xf32, #tpu.memory_space<vmem_shared>> -> memref<10112x64xf32, #tpu.memory_space<vmem_shared>>
      tpu.enqueue_indirect_dma source(%dma_start3A_157 : memref<10112x64xf32, #tpu.memory_space<vmem_shared>>) target(%dma_start3A_151 : memref<128x64xf32, #tpu.memory_space<vmem>>) offsets(%dma_start3A_154 : memref<128xi32, #tpu.memory_space<vmem>>) semaphore(%arg11 : memref<!tpu.dma_semaphore, #tpu.memory_space<semaphore_mem>>)
      %dma_start3A_158 = arith.constant 0 : i32
      %dma_start3A_159 = arith.constant 0 : i32
      %dma_start3A_160 = arith.constant 0 : i32
      %dma_start3A_161 = arith.constant 1 : i32
      %dma_start3A_162 = arith.constant 0 : i32
      %dma_start3A_163 = arith.constant 0 : i32
      %dma_start3A_164 = arith.constant 0 : i32
      %dma_start3A_165 = tpu.memref_slice %arg7[%dma_start3A_158, %dma_start3A_159, %dma_start3A_163, %dma_start3A_164] : memref<2x2x128x64xf32, #tpu.memory_space<vmem>> -> memref<1x1x128x64xf32, #tpu.memory_space<vmem>>
      %dma_start3A_166 = tpu.memref_squeeze %dma_start3A_165 : memref<1x1x128x64xf32, #tpu.memory_space<vmem>> -> memref<128x64xf32, #tpu.memory_space<vmem>>
      %dma_start3A_167 = arith.constant 0 : i32
      %dma_start3A_168 = tpu.memref_slice %arg6[%dma_start3A_160, %dma_start3A_161, %dma_start3A_162, %dma_start3A_167] : memref<2x2x2x128xi32, #tpu.memory_space<vmem>> -> memref<1x1x1x128xi32, #tpu.memory_space<vmem>>
      %dma_start3A_169 = tpu.memref_squeeze %dma_start3A_168 : memref<1x1x1x128xi32, #tpu.memory_space<vmem>> -> memref<128xi32, #tpu.memory_space<vmem>>
      %dma_start3A_170 = arith.constant 0 : i32
      %dma_start3A_171 = arith.constant 0 : i32
      %dma_start3A_172 = tpu.memref_slice %arg8[%dma_start3A_170, %dma_start3A_171] : memref<10112x64xf32, #tpu.memory_space<vmem_shared>> -> memref<10112x64xf32, #tpu.memory_space<vmem_shared>>
      tpu.enqueue_indirect_dma source(%dma_start3A_166 : memref<128x64xf32, #tpu.memory_space<vmem>>) target(%dma_start3A_172 : memref<10112x64xf32, #tpu.memory_space<vmem_shared>>) offsets(%dma_start3A_169 : memref<128xi32, #tpu.memory_space<vmem>>) semaphore(%arg12 : memref<!tpu.dma_semaphore, #tpu.memory_space<semaphore_mem>>) {add = true}
      %dma_start3A_173 = arith.constant 0 : i32
      %dma_start3A_174 = arith.constant 1 : i32
      %dma_start3A_175 = arith.constant 0 : i32
      %dma_start3A_176 = arith.constant 1 : i32
      %dma_start3A_177 = arith.constant 1 : i32
      %dma_start3A_178 = arith.constant 0 : i32
      %dma_start3A_179 = arith.constant 0 : i32
      %dma_start3A_180 = tpu.memref_slice %arg7[%dma_start3A_173, %dma_start3A_174, %dma_start3A_178, %dma_start3A_179] : memref<2x2x128x64xf32, #tpu.memory_space<vmem>> -> memref<1x1x128x64xf32, #tpu.memory_space<vmem>>
      %dma_start3A_181 = tpu.memref_squeeze %dma_start3A_180 : memref<1x1x128x64xf32, #tpu.memory_space<vmem>> -> memref<128x64xf32, #tpu.memory_space<vmem>>
      %dma_start3A_182 = arith.constant 0 : i32
      %dma_start3A_183 = tpu.memref_slice %arg6[%dma_start3A_175, %dma_start3A_176, %dma_start3A_177, %dma_start3A_182] : memref<2x2x2x128xi32, #tpu.memory_space<vmem>> -> memref<1x1x1x128xi32, #tpu.memory_space<vmem>>
      %dma_start3A_184 = tpu.memref_squeeze %dma_start3A_183 : memref<1x1x1x128xi32, #tpu.memory_space<vmem>> -> memref<128xi32, #tpu.memory_space<vmem>>
      %dma_start3A_185 = arith.constant 0 : i32
      %dma_start3A_186 = arith.constant 0 : i32
      %dma_start3A_187 = tpu.memref_slice %arg8[%dma_start3A_185, %dma_start3A_186] : memref<10112x64xf32, #tpu.memory_space<vmem_shared>> -> memref<10112x64xf32, #tpu.memory_space<vmem_shared>>
      tpu.enqueue_indirect_dma source(%dma_start3A_181 : memref<128x64xf32, #tpu.memory_space<vmem>>) target(%dma_start3A_187 : memref<10112x64xf32, #tpu.memory_space<vmem_shared>>) offsets(%dma_start3A_184 : memref<128xi32, #tpu.memory_space<vmem>>) semaphore(%arg12 : memref<!tpu.dma_semaphore, #tpu.memory_space<semaphore_mem>>) {add = true}
      %dma_wait3A_188 = arith.constant 1 : i32
      %dma_wait3A_189 = arith.constant 0 : i32
      %dma_wait3A_190 = arith.constant 0 : i32
      %dma_wait3A_191 = arith.constant 1 : i32
      %dma_wait3A_192 = arith.constant 0 : i32
      %dma_wait3A_193 = arith.constant 0 : i32
      %dma_wait3A_194 = arith.constant 0 : i32
      %dma_wait3A_195 = tpu.memref_slice %arg7[%dma_wait3A_191, %dma_wait3A_192, %dma_wait3A_193, %dma_wait3A_194] : memref<2x2x128x64xf32, #tpu.memory_space<vmem>> -> memref<1x1x128x64xf32, #tpu.memory_space<vmem>>
      %dma_wait3A_196 = tpu.memref_squeeze %dma_wait3A_195 : memref<1x1x128x64xf32, #tpu.memory_space<vmem>> -> memref<128x64xf32, #tpu.memory_space<vmem>>
      %dma_wait3A_197 = arith.constant 0 : i32
      %dma_wait3A_198 = tpu.memref_slice %arg6[%dma_wait3A_188, %dma_wait3A_189, %dma_wait3A_190, %dma_wait3A_197] : memref<2x2x2x128xi32, #tpu.memory_space<vmem>> -> memref<1x1x1x128xi32, #tpu.memory_space<vmem>>
      %dma_wait3A_199 = tpu.memref_squeeze %dma_wait3A_198 : memref<1x1x1x128xi32, #tpu.memory_space<vmem>> -> memref<128xi32, #tpu.memory_space<vmem>>
      %dma_wait3A_200 = arith.constant 0 : i32
      %dma_wait3A_201 = arith.constant 0 : i32
      %dma_wait3A_202 = tpu.memref_slice %arg9[%dma_wait3A_200, %dma_wait3A_201] : memref<10112x64xf32, #tpu.memory_space<vmem_shared>> -> memref<10112x64xf32, #tpu.memory_space<vmem_shared>>
      tpu.wait_indirect_dma semaphore(%arg11 : memref<!tpu.dma_semaphore, #tpu.memory_space<semaphore_mem>>) src(%dma_wait3A_202 : memref<10112x64xf32, #tpu.memory_space<vmem_shared>>) dst(%dma_wait3A_196 : memref<128x64xf32, #tpu.memory_space<vmem>>)
      %dma_wait3A_203 = arith.constant 1 : i32
      %dma_wait3A_204 = arith.constant 0 : i32
      %dma_wait3A_205 = arith.constant 1 : i32
      %dma_wait3A_206 = arith.constant 1 : i32
      %dma_wait3A_207 = arith.constant 1 : i32
      %dma_wait3A_208 = arith.constant 0 : i32
      %dma_wait3A_209 = arith.constant 0 : i32
      %dma_wait3A_210 = tpu.memref_slice %arg7[%dma_wait3A_206, %dma_wait3A_207, %dma_wait3A_208, %dma_wait3A_209] : memref<2x2x128x64xf32, #tpu.memory_space<vmem>> -> memref<1x1x128x64xf32, #tpu.memory_space<vmem>>
      %dma_wait3A_211 = tpu.memref_squeeze %dma_wait3A_210 : memref<1x1x128x64xf32, #tpu.memory_space<vmem>> -> memref<128x64xf32, #tpu.memory_space<vmem>>
      %dma_wait3A_212 = arith.constant 0 : i32
      %dma_wait3A_213 = tpu.memref_slice %arg6[%dma_wait3A_203, %dma_wait3A_204, %dma_wait3A_205, %dma_wait3A_212] : memref<2x2x2x128xi32, #tpu.memory_space<vmem>> -> memref<1x1x1x128xi32, #tpu.memory_space<vmem>>
      %dma_wait3A_214 = tpu.memref_squeeze %dma_wait3A_213 : memref<1x1x1x128xi32, #tpu.memory_space<vmem>> -> memref<128xi32, #tpu.memory_space<vmem>>
      %dma_wait3A_215 = arith.constant 0 : i32
      %dma_wait3A_216 = arith.constant 0 : i32
      %dma_wait3A_217 = tpu.memref_slice %arg9[%dma_wait3A_215, %dma_wait3A_216] : memref<10112x64xf32, #tpu.memory_space<vmem_shared>> -> memref<10112x64xf32, #tpu.memory_space<vmem_shared>>
      tpu.wait_indirect_dma semaphore(%arg11 : memref<!tpu.dma_semaphore, #tpu.memory_space<semaphore_mem>>) src(%dma_wait3A_217 : memref<10112x64xf32, #tpu.memory_space<vmem_shared>>) dst(%dma_wait3A_211 : memref<128x64xf32, #tpu.memory_space<vmem>>)
      %dma_wait3A_218 = arith.constant 0 : i32
      %dma_wait3A_219 = arith.constant 0 : i32
      %dma_wait3A_220 = arith.constant 0 : i32
      %dma_wait3A_221 = arith.constant 1 : i32
      %dma_wait3A_222 = arith.constant 0 : i32
      %dma_wait3A_223 = arith.constant 0 : i32
      %dma_wait3A_224 = arith.constant 0 : i32
      %dma_wait3A_225 = tpu.memref_slice %arg7[%dma_wait3A_218, %dma_wait3A_219, %dma_wait3A_223, %dma_wait3A_224] : memref<2x2x128x64xf32, #tpu.memory_space<vmem>> -> memref<1x1x128x64xf32, #tpu.memory_space<vmem>>
      %dma_wait3A_226 = tpu.memref_squeeze %dma_wait3A_225 : memref<1x1x128x64xf32, #tpu.memory_space<vmem>> -> memref<128x64xf32, #tpu.memory_space<vmem>>
      %dma_wait3A_227 = arith.constant 0 : i32
      %dma_wait3A_228 = tpu.memref_slice %arg6[%dma_wait3A_220, %dma_wait3A_221, %dma_wait3A_222, %dma_wait3A_227] : memref<2x2x2x128xi32, #tpu.memory_space<vmem>> -> memref<1x1x1x128xi32, #tpu.memory_space<vmem>>
      %dma_wait3A_229 = tpu.memref_squeeze %dma_wait3A_228 : memref<1x1x1x128xi32, #tpu.memory_space<vmem>> -> memref<128xi32, #tpu.memory_space<vmem>>
      %dma_wait3A_230 = arith.constant 0 : i32
      %dma_wait3A_231 = arith.constant 0 : i32
      %dma_wait3A_232 = tpu.memref_slice %arg8[%dma_wait3A_230, %dma_wait3A_231] : memref<10112x64xf32, #tpu.memory_space<vmem_shared>> -> memref<10112x64xf32, #tpu.memory_space<vmem_shared>>
      tpu.wait_indirect_dma semaphore(%arg12 : memref<!tpu.dma_semaphore, #tpu.memory_space<semaphore_mem>>) src(%dma_wait3A_226 : memref<128x64xf32, #tpu.memory_space<vmem>>) dst(%dma_wait3A_232 : memref<10112x64xf32, #tpu.memory_space<vmem_shared>>)
      %dma_wait3A_233 = arith.constant 0 : i32
      %dma_wait3A_234 = arith.constant 1 : i32
      %dma_wait3A_235 = arith.constant 0 : i32
      %dma_wait3A_236 = arith.constant 1 : i32
      %dma_wait3A_237 = arith.constant 1 : i32
      %dma_wait3A_238 = arith.constant 0 : i32
      %dma_wait3A_239 = arith.constant 0 : i32
      %dma_wait3A_240 = tpu.memref_slice %arg7[%dma_wait3A_233, %dma_wait3A_234, %dma_wait3A_238, %dma_wait3A_239] : memref<2x2x128x64xf32, #tpu.memory_space<vmem>> -> memref<1x1x128x64xf32, #tpu.memory_space<vmem>>
      %dma_wait3A_241 = tpu.memref_squeeze %dma_wait3A_240 : memref<1x1x128x64xf32, #tpu.memory_space<vmem>> -> memref<128x64xf32, #tpu.memory_space<vmem>>
      %dma_wait3A_242 = arith.constant 0 : i32
      %dma_wait3A_243 = tpu.memref_slice %arg6[%dma_wait3A_235, %dma_wait3A_236, %dma_wait3A_237, %dma_wait3A_242] : memref<2x2x2x128xi32, #tpu.memory_space<vmem>> -> memref<1x1x1x128xi32, #tpu.memory_space<vmem>>
      %dma_wait3A_244 = tpu.memref_squeeze %dma_wait3A_243 : memref<1x1x1x128xi32, #tpu.memory_space<vmem>> -> memref<128xi32, #tpu.memory_space<vmem>>
      %dma_wait3A_245 = arith.constant 0 : i32
      %dma_wait3A_246 = arith.constant 0 : i32
      %dma_wait3A_247 = tpu.memref_slice %arg8[%dma_wait3A_245, %dma_wait3A_246] : memref<10112x64xf32, #tpu.memory_space<vmem_shared>> -> memref<10112x64xf32, #tpu.memory_space<vmem_shared>>
      tpu.wait_indirect_dma semaphore(%arg12 : memref<!tpu.dma_semaphore, #tpu.memory_space<semaphore_mem>>) src(%dma_wait3A_241 : memref<128x64xf32, #tpu.memory_space<vmem>>) dst(%dma_wait3A_247 : memref<10112x64xf32, #tpu.memory_space<vmem_shared>>)
      %lt3A_248 = arith.constant 39 : i32
      %lt3A_249 = arith.cmpi slt, %scan3A_86, %lt3A_248 : i32
      %convert_element_type3A_250 = arith.extui %lt3A_249 : i1 to i32
      %cond3A_251 = arith.constant 0 : i32
      %cond3A_252 = arith.cmpi ne, %convert_element_type3A_250, %cond3A_251 : i32
      scf.if %cond3A_252 {
        %mul3A_283 = arith.constant 2 : i32
        %mul3A_284 = arith.muli %mul3A_283, %scan3A_86 : i32
        %add3A_285 = arith.addi %mul3A_2, %mul3A_284 : i32
        %add3A_286 = arith.constant 2 : i32
        %add3A_287 = arith.addi %add3A_285, %add3A_286 : i32
        %run_scoped3A_288 = arith.constant 0 : i32
        "tpu.region"() ({
          %run_scoped3A_319 = tpu.sem_alloc : memref<!tpu.dma_semaphore, #tpu.memory_space<semaphore_mem>>
          %dma_start3A_320 = arith.constant 0 : i32
          %dma_start3A_321 = arith.constant 0 : i32
          %dma_start3A_322 = arith.constant 0 : i32
          %dma_start3A_323 = tpu.memref_slice %arg6[%run_scoped3A_288, %dma_start3A_320, %dma_start3A_321, %dma_start3A_322] : memref<2x2x2x128xi32, #tpu.memory_space<vmem>> -> memref<1x2x2x128xi32, #tpu.memory_space<vmem>>
          %dma_start3A_324 = tpu.memref_squeeze %dma_start3A_323 : memref<1x2x2x128xi32, #tpu.memory_space<vmem>> -> memref<2x2x128xi32, #tpu.memory_space<vmem>>
          %dma_start3A_325 = arith.constant 0 : i32
          %dma_start3A_326 = arith.constant 0 : i32
          %dma_start3A_327 = arith.constant 0 : i32
          %dma_start3A_328 = tpu.memref_slice %arg3[%add3A_287, %dma_start3A_325, %dma_start3A_326, %dma_start3A_327] : memref<1280x2x2x128xi32, #tpu.memory_space<hbm>> -> memref<1x2x2x128xi32, #tpu.memory_space<hbm>>
          %dma_start3A_329 = tpu.memref_squeeze %dma_start3A_328 : memref<1x2x2x128xi32, #tpu.memory_space<hbm>> -> memref<2x2x128xi32, #tpu.memory_space<hbm>>
          %dma_start3A_330 = arith.constant 0 : i32
          %dma_start3A_331 = arith.constant 0 : i32
          %dma_start3A_332 = arith.constant 0 : i32
          %dma_start3A_333 = tpu.memref_slice %arg6[%run_scoped3A_288, %dma_start3A_330, %dma_start3A_331, %dma_start3A_332] : memref<2x2x2x128xi32, #tpu.memory_space<vmem>> -> memref<1x2x2x128xi32, #tpu.memory_space<vmem>>
          %dma_start3A_334 = tpu.memref_squeeze %dma_start3A_333 : memref<1x2x2x128xi32, #tpu.memory_space<vmem>> -> memref<2x2x128xi32, #tpu.memory_space<vmem>>
          %dma_start3A_335 = arith.constant 0 : i32
          %dma_start3A_336 = arith.constant 0 : i32
          %dma_start3A_337 = arith.constant 0 : i32
          %dma_start3A_338 = tpu.memref_slice %arg3[%add3A_287, %dma_start3A_335, %dma_start3A_336, %dma_start3A_337] : memref<1280x2x2x128xi32, #tpu.memory_space<hbm>> -> memref<1x2x2x128xi32, #tpu.memory_space<hbm>>
          %dma_start3A_339 = tpu.memref_squeeze %dma_start3A_338 : memref<1x2x2x128xi32, #tpu.memory_space<hbm>> -> memref<2x2x128xi32, #tpu.memory_space<hbm>>
          tpu.enqueue_dma source(%dma_start3A_339 : memref<2x2x128xi32, #tpu.memory_space<hbm>>) target(%dma_start3A_334 : memref<2x2x128xi32, #tpu.memory_space<vmem>>) target_semaphore(%run_scoped3A_319 : memref<!tpu.dma_semaphore, #tpu.memory_space<semaphore_mem>>)
          %dma_wait3A_340 = arith.constant 0 : i32
          %dma_wait3A_341 = arith.constant 0 : i32
          %dma_wait3A_342 = arith.constant 0 : i32
          %dma_wait3A_343 = tpu.memref_slice %arg6[%run_scoped3A_288, %dma_wait3A_340, %dma_wait3A_341, %dma_wait3A_342] : memref<2x2x2x128xi32, #tpu.memory_space<vmem>> -> memref<1x2x2x128xi32, #tpu.memory_space<vmem>>
          %dma_wait3A_344 = tpu.memref_squeeze %dma_wait3A_343 : memref<1x2x2x128xi32, #tpu.memory_space<vmem>> -> memref<2x2x128xi32, #tpu.memory_space<vmem>>
          %dma_wait3A_345 = arith.constant 0 : i32
          %dma_wait3A_346 = arith.constant 0 : i32
          %dma_wait3A_347 = arith.constant 0 : i32
          %dma_wait3A_348 = tpu.memref_slice %arg3[%add3A_287, %dma_wait3A_345, %dma_wait3A_346, %dma_wait3A_347] : memref<1280x2x2x128xi32, #tpu.memory_space<hbm>> -> memref<1x2x2x128xi32, #tpu.memory_space<hbm>>
          %dma_wait3A_349 = tpu.memref_squeeze %dma_wait3A_348 : memref<1x2x2x128xi32, #tpu.memory_space<hbm>> -> memref<2x2x128xi32, #tpu.memory_space<hbm>>
          %dma_wait3A_350 = arith.constant 0 : i32
          %dma_wait3A_351 = arith.constant 0 : i32
          %dma_wait3A_352 = arith.constant 0 : i32
          %dma_wait3A_353 = tpu.memref_slice %arg6[%run_scoped3A_288, %dma_wait3A_350, %dma_wait3A_351, %dma_wait3A_352] : memref<2x2x2x128xi32, #tpu.memory_space<vmem>> -> memref<1x2x2x128xi32, #tpu.memory_space<vmem>>
          %dma_wait3A_354 = tpu.memref_squeeze %dma_wait3A_353 : memref<1x2x2x128xi32, #tpu.memory_space<vmem>> -> memref<2x2x128xi32, #tpu.memory_space<vmem>>
          %dma_wait3A_355 = arith.constant 0 : i32
          %dma_wait3A_356 = arith.constant 0 : i32
          %dma_wait3A_357 = arith.constant 0 : i32
          %dma_wait3A_358 = tpu.memref_slice %arg3[%add3A_287, %dma_wait3A_355, %dma_wait3A_356, %dma_wait3A_357] : memref<1280x2x2x128xi32, #tpu.memory_space<hbm>> -> memref<1x2x2x128xi32, #tpu.memory_space<hbm>>
          %dma_wait3A_359 = tpu.memref_squeeze %dma_wait3A_358 : memref<1x2x2x128xi32, #tpu.memory_space<hbm>> -> memref<2x2x128xi32, #tpu.memory_space<hbm>>
          tpu.wait_dma2 semaphore(%run_scoped3A_319 : memref<!tpu.dma_semaphore, #tpu.memory_space<semaphore_mem>>) src(%dma_wait3A_359 : memref<2x2x128xi32, #tpu.memory_space<hbm>>) dst(%dma_wait3A_354 : memref<2x2x128xi32, #tpu.memory_space<vmem>>)
          tpu.yield
        }) : () -> ()
        %dma_start3A_289 = arith.constant 0 : i32
        %dma_start3A_290 = arith.constant 0 : i32
        %dma_start3A_291 = arith.constant 0 : i32
        %dma_start3A_292 = arith.constant 0 : i32
        %dma_start3A_293 = arith.constant 0 : i32
        %dma_start3A_294 = arith.constant 0 : i32
        %dma_start3A_295 = arith.constant 0 : i32
        %dma_start3A_296 = tpu.memref_slice %arg7[%dma_start3A_292, %dma_start3A_293, %dma_start3A_294, %dma_start3A_295] : memref<2x2x128x64xf32, #tpu.memory_space<vmem>> -> memref<1x1x128x64xf32, #tpu.memory_space<vmem>>
        %dma_start3A_297 = tpu.memref_squeeze %dma_start3A_296 : memref<1x1x128x64xf32, #tpu.memory_space<vmem>> -> memref<128x64xf32, #tpu.memory_space<vmem>>
        %dma_start3A_298 = arith.constant 0 : i32
        %dma_start3A_299 = tpu.memref_slice %arg6[%dma_start3A_289, %dma_start3A_290, %dma_start3A_291, %dma_start3A_298] : memref<2x2x2x128xi32, #tpu.memory_space<vmem>> -> memref<1x1x1x128xi32, #tpu.memory_space<vmem>>
        %dma_start3A_300 = tpu.memref_squeeze %dma_start3A_299 : memref<1x1x1x128xi32, #tpu.memory_space<vmem>> -> memref<128xi32, #tpu.memory_space<vmem>>
        %dma_start3A_301 = arith.constant 0 : i32
        %dma_start3A_302 = arith.constant 0 : i32
        %dma_start3A_303 = tpu.memref_slice %arg9[%dma_start3A_301, %dma_start3A_302] : memref<10112x64xf32, #tpu.memory_space<vmem_shared>> -> memref<10112x64xf32, #tpu.memory_space<vmem_shared>>
        tpu.enqueue_indirect_dma source(%dma_start3A_303 : memref<10112x64xf32, #tpu.memory_space<vmem_shared>>) target(%dma_start3A_297 : memref<128x64xf32, #tpu.memory_space<vmem>>) offsets(%dma_start3A_300 : memref<128xi32, #tpu.memory_space<vmem>>) semaphore(%arg10 : memref<!tpu.dma_semaphore, #tpu.memory_space<semaphore_mem>>)
        %dma_start3A_304 = arith.constant 0 : i32
        %dma_start3A_305 = arith.constant 0 : i32
        %dma_start3A_306 = arith.constant 1 : i32
        %dma_start3A_307 = arith.constant 0 : i32
        %dma_start3A_308 = arith.constant 1 : i32
        %dma_start3A_309 = arith.constant 0 : i32
        %dma_start3A_310 = arith.constant 0 : i32
        %dma_start3A_311 = tpu.memref_slice %arg7[%dma_start3A_307, %dma_start3A_308, %dma_start3A_309, %dma_start3A_310] : memref<2x2x128x64xf32, #tpu.memory_space<vmem>> -> memref<1x1x128x64xf32, #tpu.memory_space<vmem>>
        %dma_start3A_312 = tpu.memref_squeeze %dma_start3A_311 : memref<1x1x128x64xf32, #tpu.memory_space<vmem>> -> memref<128x64xf32, #tpu.memory_space<vmem>>
        %dma_start3A_313 = arith.constant 0 : i32
        %dma_start3A_314 = tpu.memref_slice %arg6[%dma_start3A_304, %dma_start3A_305, %dma_start3A_306, %dma_start3A_313] : memref<2x2x2x128xi32, #tpu.memory_space<vmem>> -> memref<1x1x1x128xi32, #tpu.memory_space<vmem>>
        %dma_start3A_315 = tpu.memref_squeeze %dma_start3A_314 : memref<1x1x1x128xi32, #tpu.memory_space<vmem>> -> memref<128xi32, #tpu.memory_space<vmem>>
        %dma_start3A_316 = arith.constant 0 : i32
        %dma_start3A_317 = arith.constant 0 : i32
        %dma_start3A_318 = tpu.memref_slice %arg9[%dma_start3A_316, %dma_start3A_317] : memref<10112x64xf32, #tpu.memory_space<vmem_shared>> -> memref<10112x64xf32, #tpu.memory_space<vmem_shared>>
        tpu.enqueue_indirect_dma source(%dma_start3A_318 : memref<10112x64xf32, #tpu.memory_space<vmem_shared>>) target(%dma_start3A_312 : memref<128x64xf32, #tpu.memory_space<vmem>>) offsets(%dma_start3A_315 : memref<128xi32, #tpu.memory_space<vmem>>) semaphore(%arg10 : memref<!tpu.dma_semaphore, #tpu.memory_space<semaphore_mem>>)
      } else {
      }
      %dma_start3A_253 = arith.constant 1 : i32
      %dma_start3A_254 = arith.constant 0 : i32
      %dma_start3A_255 = arith.constant 1 : i32
      %dma_start3A_256 = arith.constant 1 : i32
      %dma_start3A_257 = arith.constant 0 : i32
      %dma_start3A_258 = arith.constant 0 : i32
      %dma_start3A_259 = arith.constant 0 : i32
      %dma_start3A_260 = tpu.memref_slice %arg7[%dma_start3A_253, %dma_start3A_254, %dma_start3A_258, %dma_start3A_259] : memref<2x2x128x64xf32, #tpu.memory_space<vmem>> -> memref<1x1x128x64xf32, #tpu.memory_space<vmem>>
      %dma_start3A_261 = tpu.memref_squeeze %dma_start3A_260 : memref<1x1x128x64xf32, #tpu.memory_space<vmem>> -> memref<128x64xf32, #tpu.memory_space<vmem>>
      %dma_start3A_262 = arith.constant 0 : i32
      %dma_start3A_263 = tpu.memref_slice %arg6[%dma_start3A_255, %dma_start3A_256, %dma_start3A_257, %dma_start3A_262] : memref<2x2x2x128xi32, #tpu.memory_space<vmem>> -> memref<1x1x1x128xi32, #tpu.memory_space<vmem>>
      %dma_start3A_264 = tpu.memref_squeeze %dma_start3A_263 : memref<1x1x1x128xi32, #tpu.memory_space<vmem>> -> memref<128xi32, #tpu.memory_space<vmem>>
      %dma_start3A_265 = arith.constant 0 : i32
      %dma_start3A_266 = arith.constant 0 : i32
      %dma_start3A_267 = tpu.memref_slice %arg8[%dma_start3A_265, %dma_start3A_266] : memref<10112x64xf32, #tpu.memory_space<vmem_shared>> -> memref<10112x64xf32, #tpu.memory_space<vmem_shared>>
      tpu.enqueue_indirect_dma source(%dma_start3A_261 : memref<128x64xf32, #tpu.memory_space<vmem>>) target(%dma_start3A_267 : memref<10112x64xf32, #tpu.memory_space<vmem_shared>>) offsets(%dma_start3A_264 : memref<128xi32, #tpu.memory_space<vmem>>) semaphore(%arg13 : memref<!tpu.dma_semaphore, #tpu.memory_space<semaphore_mem>>) {add = true}
      %dma_start3A_268 = arith.constant 1 : i32
      %dma_start3A_269 = arith.constant 1 : i32
      %dma_start3A_270 = arith.constant 1 : i32
      %dma_start3A_271 = arith.constant 1 : i32
      %dma_start3A_272 = arith.constant 1 : i32
      %dma_start3A_273 = arith.constant 0 : i32
      %dma_start3A_274 = arith.constant 0 : i32
      %dma_start3A_275 = tpu.memref_slice %arg7[%dma_start3A_268, %dma_start3A_269, %dma_start3A_273, %dma_start3A_274] : memref<2x2x128x64xf32, #tpu.memory_space<vmem>> -> memref<1x1x128x64xf32, #tpu.memory_space<vmem>>
      %dma_start3A_276 = tpu.memref_squeeze %dma_start3A_275 : memref<1x1x128x64xf32, #tpu.memory_space<vmem>> -> memref<128x64xf32, #tpu.memory_space<vmem>>
      %dma_start3A_277 = arith.constant 0 : i32
      %dma_start3A_278 = tpu.memref_slice %arg6[%dma_start3A_270, %dma_start3A_271, %dma_start3A_272, %dma_start3A_277] : memref<2x2x2x128xi32, #tpu.memory_space<vmem>> -> memref<1x1x1x128xi32, #tpu.memory_space<vmem>>
      %dma_start3A_279 = tpu.memref_squeeze %dma_start3A_278 : memref<1x1x1x128xi32, #tpu.memory_space<vmem>> -> memref<128xi32, #tpu.memory_space<vmem>>
      %dma_start3A_280 = arith.constant 0 : i32
      %dma_start3A_281 = arith.constant 0 : i32
      %dma_start3A_282 = tpu.memref_slice %arg8[%dma_start3A_280, %dma_start3A_281] : memref<10112x64xf32, #tpu.memory_space<vmem_shared>> -> memref<10112x64xf32, #tpu.memory_space<vmem_shared>>
      tpu.enqueue_indirect_dma source(%dma_start3A_276 : memref<128x64xf32, #tpu.memory_space<vmem>>) target(%dma_start3A_282 : memref<10112x64xf32, #tpu.memory_space<vmem_shared>>) offsets(%dma_start3A_279 : memref<128xi32, #tpu.memory_space<vmem>>) semaphore(%arg13 : memref<!tpu.dma_semaphore, #tpu.memory_space<semaphore_mem>>) {add = true}
    }
    %scan3A_42 = arith.constant 40 : i32
    %dma_wait3A = arith.constant 1 : i32
    %dma_wait3A_43 = arith.constant 0 : i32
    %dma_wait3A_44 = arith.constant 1 : i32
    %dma_wait3A_45 = arith.constant 1 : i32
    %dma_wait3A_46 = arith.constant 0 : i32
    %dma_wait3A_47 = arith.constant 0 : i32
    %dma_wait3A_48 = arith.constant 0 : i32
    %dma_wait3A_49 = tpu.memref_slice %arg7[%dma_wait3A, %dma_wait3A_43, %dma_wait3A_47, %dma_wait3A_48] : memref<2x2x128x64xf32, #tpu.memory_space<vmem>> -> memref<1x1x128x64xf32, #tpu.memory_space<vmem>>
    %dma_wait3A_50 = tpu.memref_squeeze %dma_wait3A_49 : memref<1x1x128x64xf32, #tpu.memory_space<vmem>> -> memref<128x64xf32, #tpu.memory_space<vmem>>
    %dma_wait3A_51 = arith.constant 0 : i32
    %dma_wait3A_52 = tpu.memref_slice %arg6[%dma_wait3A_44, %dma_wait3A_45, %dma_wait3A_46, %dma_wait3A_51] : memref<2x2x2x128xi32, #tpu.memory_space<vmem>> -> memref<1x1x1x128xi32, #tpu.memory_space<vmem>>
    %dma_wait3A_53 = tpu.memref_squeeze %dma_wait3A_52 : memref<1x1x1x128xi32, #tpu.memory_space<vmem>> -> memref<128xi32, #tpu.memory_space<vmem>>
    %dma_wait3A_54 = arith.constant 0 : i32
    %dma_wait3A_55 = arith.constant 0 : i32
    %dma_wait3A_56 = tpu.memref_slice %arg8[%dma_wait3A_54, %dma_wait3A_55] : memref<10112x64xf32, #tpu.memory_space<vmem_shared>> -> memref<10112x64xf32, #tpu.memory_space<vmem_shared>>
    tpu.wait_indirect_dma semaphore(%arg13 : memref<!tpu.dma_semaphore, #tpu.memory_space<semaphore_mem>>) src(%dma_wait3A_50 : memref<128x64xf32, #tpu.memory_space<vmem>>) dst(%dma_wait3A_56 : memref<10112x64xf32, #tpu.memory_space<vmem_shared>>)
    %dma_wait3A_57 = arith.constant 1 : i32
    %dma_wait3A_58 = arith.constant 1 : i32
    %dma_wait3A_59 = arith.constant 1 : i32
    %dma_wait3A_60 = arith.constant 1 : i32
    %dma_wait3A_61 = arith.constant 1 : i32
    %dma_wait3A_62 = arith.constant 0 : i32
    %dma_wait3A_63 = arith.constant 0 : i32
    %dma_wait3A_64 = tpu.memref_slice %arg7[%dma_wait3A_57, %dma_wait3A_58, %dma_wait3A_62, %dma_wait3A_63] : memref<2x2x128x64xf32, #tpu.memory_space<vmem>> -> memref<1x1x128x64xf32, #tpu.memory_space<vmem>>
    %dma_wait3A_65 = tpu.memref_squeeze %dma_wait3A_64 : memref<1x1x128x64xf32, #tpu.memory_space<vmem>> -> memref<128x64xf32, #tpu.memory_space<vmem>>
    %dma_wait3A_66 = arith.constant 0 : i32
    %dma_wait3A_67 = tpu.memref_slice %arg6[%dma_wait3A_59, %dma_wait3A_60, %dma_wait3A_61, %dma_wait3A_66] : memref<2x2x2x128xi32, #tpu.memory_space<vmem>> -> memref<1x1x1x128xi32, #tpu.memory_space<vmem>>
    %dma_wait3A_68 = tpu.memref_squeeze %dma_wait3A_67 : memref<1x1x1x128xi32, #tpu.memory_space<vmem>> -> memref<128xi32, #tpu.memory_space<vmem>>
    %dma_wait3A_69 = arith.constant 0 : i32
    %dma_wait3A_70 = arith.constant 0 : i32
    %dma_wait3A_71 = tpu.memref_slice %arg8[%dma_wait3A_69, %dma_wait3A_70] : memref<10112x64xf32, #tpu.memory_space<vmem_shared>> -> memref<10112x64xf32, #tpu.memory_space<vmem_shared>>
    tpu.wait_indirect_dma semaphore(%arg13 : memref<!tpu.dma_semaphore, #tpu.memory_space<semaphore_mem>>) src(%dma_wait3A_65 : memref<128x64xf32, #tpu.memory_space<vmem>>) dst(%dma_wait3A_71 : memref<10112x64xf32, #tpu.memory_space<vmem_shared>>)
    %barrier3A_72 = arith.constant 0 : index
    tpu.barrier barrier_id(%barrier3A_72)
    %add3A = arith.constant 632 : i32
    %add3A_73 = arith.addi %mul3A_0, %add3A : i32
    %le3A = arith.constant 10000 : i32
    %le3A_74 = arith.cmpi sle, %add3A_73, %le3A : i32
    %convert_element_type3A_75 = arith.extui %le3A_74 : i1 to i32
    %cond3A_76 = arith.constant 0 : i32
    %cond3A_77 = arith.cmpi ne, %convert_element_type3A_75, %cond3A_76 : i32
    scf.if %cond3A_77 {
      "tpu.region"() ({
        %run_scoped3A_86 = tpu.sem_alloc : memref<!tpu.dma_semaphore, #tpu.memory_space<semaphore_mem>>
        %dma_start3A_87 = arith.constant 0 : i32
        %dma_start3A_88 = tpu.memref_slice %arg5[%arg0, %mul3A_0, %dma_start3A_87] : memref<2x10000x64xf32, #tpu.memory_space<hbm>> -> memref<1x632x64xf32, #tpu.memory_space<hbm>>
        %dma_start3A_89 = tpu.memref_squeeze %dma_start3A_88 : memref<1x632x64xf32, #tpu.memory_space<hbm>> -> memref<632x64xf32, #tpu.memory_space<hbm>>
        %dma_start3A_90 = arith.constant 0 : i32
        %dma_start3A_91 = tpu.memref_slice %arg8[%mul3A_0, %dma_start3A_90] : memref<10112x64xf32, #tpu.memory_space<vmem_shared>> -> memref<632x64xf32, #tpu.memory_space<vmem_shared>>
        tpu.enqueue_dma source(%dma_start3A_91 : memref<632x64xf32, #tpu.memory_space<vmem_shared>>) target(%dma_start3A_89 : memref<632x64xf32, #tpu.memory_space<hbm>>) target_semaphore(%run_scoped3A_86 : memref<!tpu.dma_semaphore, #tpu.memory_space<semaphore_mem>>)
        %dma_wait3A_92 = arith.constant 0 : i32
        %dma_wait3A_93 = tpu.memref_slice %arg5[%arg0, %mul3A_0, %dma_wait3A_92] : memref<2x10000x64xf32, #tpu.memory_space<hbm>> -> memref<1x632x64xf32, #tpu.memory_space<hbm>>
        %dma_wait3A_94 = tpu.memref_squeeze %dma_wait3A_93 : memref<1x632x64xf32, #tpu.memory_space<hbm>> -> memref<632x64xf32, #tpu.memory_space<hbm>>
        %dma_wait3A_95 = arith.constant 0 : i32
        %dma_wait3A_96 = tpu.memref_slice %arg8[%mul3A_0, %dma_wait3A_95] : memref<10112x64xf32, #tpu.memory_space<vmem_shared>> -> memref<632x64xf32, #tpu.memory_space<vmem_shared>>
        tpu.wait_dma2 semaphore(%run_scoped3A_86 : memref<!tpu.dma_semaphore, #tpu.memory_space<semaphore_mem>>) src(%dma_wait3A_96 : memref<632x64xf32, #tpu.memory_space<vmem_shared>>) dst(%dma_wait3A_94 : memref<632x64xf32, #tpu.memory_space<hbm>>)
        tpu.yield
      }) : () -> ()
    } else {
    }
    %lt3A_78 = arith.constant 10000 : i32
    %lt3A_79 = arith.cmpi slt, %mul3A_0, %lt3A_78 : i32
    %add3A_80 = arith.constant 632 : i32
    %add3A_81 = arith.addi %mul3A_0, %add3A_80 : i32
    %gt3A = arith.constant 10000 : i32
    %gt3A_82 = arith.cmpi sgt, %add3A_81, %gt3A : i32
    %and3A = arith.andi %lt3A_79, %gt3A_82 : i1
    %convert_element_type3A_83 = arith.extui %and3A : i1 to i32
    %cond3A_84 = arith.constant 0 : i32
    %cond3A_85 = arith.cmpi ne, %convert_element_type3A_83, %cond3A_84 : i32
    scf.if %cond3A_85 {
      "tpu.region"() ({
        %run_scoped3A_86 = tpu.sem_alloc : memref<!tpu.dma_semaphore, #tpu.memory_space<semaphore_mem>>
        %dma_start3A_87 = arith.constant 9480 : i32
        %dma_start3A_88 = arith.constant 0 : i32
        %dma_start3A_89 = tpu.memref_slice %arg5[%arg0, %dma_start3A_87, %dma_start3A_88] : memref<2x10000x64xf32, #tpu.memory_space<hbm>> -> memref<1x520x64xf32, #tpu.memory_space<hbm>>
        %dma_start3A_90 = tpu.memref_squeeze %dma_start3A_89 : memref<1x520x64xf32, #tpu.memory_space<hbm>> -> memref<520x64xf32, #tpu.memory_space<hbm>>
        %dma_start3A_91 = arith.constant 9480 : i32
        %dma_start3A_92 = arith.constant 0 : i32
        %dma_start3A_93 = tpu.memref_slice %arg8[%dma_start3A_91, %dma_start3A_92] : memref<10112x64xf32, #tpu.memory_space<vmem_shared>> -> memref<520x64xf32, #tpu.memory_space<vmem_shared>>
        tpu.enqueue_dma source(%dma_start3A_93 : memref<520x64xf32, #tpu.memory_space<vmem_shared>>) target(%dma_start3A_90 : memref<520x64xf32, #tpu.memory_space<hbm>>) target_semaphore(%run_scoped3A_86 : memref<!tpu.dma_semaphore, #tpu.memory_space<semaphore_mem>>)
        %dma_wait3A_94 = arith.constant 9480 : i32
        %dma_wait3A_95 = arith.constant 0 : i32
        %dma_wait3A_96 = tpu.memref_slice %arg5[%arg0, %dma_wait3A_94, %dma_wait3A_95] : memref<2x10000x64xf32, #tpu.memory_space<hbm>> -> memref<1x520x64xf32, #tpu.memory_space<hbm>>
        %dma_wait3A_97 = tpu.memref_squeeze %dma_wait3A_96 : memref<1x520x64xf32, #tpu.memory_space<hbm>> -> memref<520x64xf32, #tpu.memory_space<hbm>>
        %dma_wait3A_98 = arith.constant 9480 : i32
        %dma_wait3A_99 = arith.constant 0 : i32
        %dma_wait3A_100 = tpu.memref_slice %arg8[%dma_wait3A_98, %dma_wait3A_99] : memref<10112x64xf32, #tpu.memory_space<vmem_shared>> -> memref<520x64xf32, #tpu.memory_space<vmem_shared>>
        tpu.wait_dma2 semaphore(%run_scoped3A_86 : memref<!tpu.dma_semaphore, #tpu.memory_space<semaphore_mem>>) src(%dma_wait3A_100 : memref<520x64xf32, #tpu.memory_space<vmem_shared>>) dst(%dma_wait3A_97 : memref<520x64xf32, #tpu.memory_space<hbm>>)
        tpu.yield
      }) : () -> ()
    } else {
    }
    return
  }
}

module attributes {stable_mosaic.version = 14 : i64} {
  func.func @_tc_body(%arg0: memref<10000x128xf32, #tpu.memory_space<vmem>>, %arg1: memref<2x10000x64xf32, #tpu.memory_space<vmem>>, %arg2: memref<128x128xf32, #tpu.memory_space<vmem>>, %arg3: memref<1x128xf32, #tpu.memory_space<vmem>>, %arg4: memref<128x128xf32, #tpu.memory_space<vmem>>, %arg5: memref<1x128xf32, #tpu.memory_space<vmem>>, %arg6: memref<1x128xf32, #tpu.memory_space<vmem>>, %arg7: memref<1x128xf32, #tpu.memory_space<vmem>>, %arg8: memref<10000x128xf32, #tpu.memory_space<vmem>>) attributes {dimension_semantics = [], scalar_prefetch = 0 : i64, scratch_operands = 0 : i64, tpu.core_type = #tpu.core_type<tc>} {
    %get3A = arith.constant 0 : index
    %get3A_0 = arith.constant 0 : index
    %get3A_1 = arith.constant 0 : index
    %get3A_2 = vector.load %arg1[%get3A, %get3A_0, %get3A_1] : memref<2x10000x64xf32, #tpu.memory_space<vmem>>, vector<1x10000x64xf32>
    %get3A_3 = vector.shape_cast %get3A_2 : vector<1x10000x64xf32> to vector<10000x64xf32>
    %get3A_4 = arith.constant 1 : index
    %get3A_5 = arith.constant 0 : index
    %get3A_6 = arith.constant 0 : index
    %get3A_7 = vector.load %arg1[%get3A_4, %get3A_5, %get3A_6] : memref<2x10000x64xf32, #tpu.memory_space<vmem>>, vector<1x10000x64xf32>
    %get3A_8 = vector.shape_cast %get3A_7 : vector<1x10000x64xf32> to vector<10000x64xf32>
    %concatenate3A = tpu.concatenate %get3A_3, %get3A_8 in 1 : vector<10000x64xf32>, vector<10000x64xf32> -> vector<10000x128xf32>
    %get3A_9 = arith.constant 0 : index
    %get3A_10 = arith.constant 0 : index
    %get3A_11 = vector.load %arg0[%get3A_9, %get3A_10] : memref<10000x128xf32, #tpu.memory_space<vmem>>, vector<10000x128xf32>
    %add3A = arith.addf %get3A_11, %concatenate3A : vector<10000x128xf32>
    %get3A_12 = arith.constant 0 : index
    %get3A_13 = arith.constant 0 : index
    %get3A_14 = vector.load %arg2[%get3A_12, %get3A_13] : memref<128x128xf32, #tpu.memory_space<vmem>>, vector<128x128xf32>
    %dot_general3A = arith.constant dense<0.000000e+00> : vector<10000x128xf32>
    %dot_general3A_15 = tpu.matmul %add3A, %get3A_14, %dot_general3A {dimension_numbers = #tpu.dot_dimension_numbers<[1], [0], [0], [1], [0, 0, 1, 1], [], []>, transpose_lhs_hint = false} : vector<10000x128xf32>, vector<128x128xf32>, vector<10000x128xf32> -> vector<10000x128xf32>
    %get3A_16 = arith.constant 0 : index
    %get3A_17 = arith.constant 0 : index
    %get3A_18 = vector.load %arg3[%get3A_16, %get3A_17] : memref<1x128xf32, #tpu.memory_space<vmem>>, vector<1x128xf32>
    %add3A_19 = vector.broadcast %get3A_18 : vector<1x128xf32> to vector<10000x128xf32>
    %add3A_20 = arith.addf %dot_general3A_15, %add3A_19 : vector<10000x128xf32>
    %max3A = arith.constant 0.000000e+00 : f32
    %max3A_21 = vector.broadcast %max3A : f32 to vector<10000x128xf32>
    %max3A_22 = arith.maximumf %add3A_20, %max3A_21 : vector<10000x128xf32>
    %get3A_23 = arith.constant 0 : index
    %get3A_24 = arith.constant 0 : index
    %get3A_25 = vector.load %arg4[%get3A_23, %get3A_24] : memref<128x128xf32, #tpu.memory_space<vmem>>, vector<128x128xf32>
    %dot_general3A_26 = arith.constant dense<0.000000e+00> : vector<10000x128xf32>
    %dot_general3A_27 = tpu.matmul %max3A_22, %get3A_25, %dot_general3A_26 {dimension_numbers = #tpu.dot_dimension_numbers<[1], [0], [0], [1], [0, 0, 1, 1], [], []>, transpose_lhs_hint = false} : vector<10000x128xf32>, vector<128x128xf32>, vector<10000x128xf32> -> vector<10000x128xf32>
    %get3A_28 = arith.constant 0 : index
    %get3A_29 = arith.constant 0 : index
    %get3A_30 = vector.load %arg5[%get3A_28, %get3A_29] : memref<1x128xf32, #tpu.memory_space<vmem>>, vector<1x128xf32>
    %add3A_31 = vector.broadcast %get3A_30 : vector<1x128xf32> to vector<10000x128xf32>
    %add3A_32 = arith.addf %dot_general3A_27, %add3A_31 : vector<10000x128xf32>
    %reduce_sum3A = arith.constant dense<0.000000e+00> : vector<128xf32>
    %reduce_sum3A_33 = vector.multi_reduction <add>, %add3A_32, %reduce_sum3A [0] : vector<10000x128xf32> to vector<128xf32>
    %broadcast_in_dim3A = vector.shape_cast %reduce_sum3A_33 : vector<128xf32> to vector<1x128xf32>
    %div3A = arith.constant 1.000000e+04 : f32
    %div3A_34 = vector.broadcast %div3A : f32 to vector<1x128xf32>
    %div3A_35 = arith.divf %broadcast_in_dim3A, %div3A_34 : vector<1x128xf32>
    %sub3A = vector.broadcast %div3A_35 : vector<1x128xf32> to vector<10000x128xf32>
    %sub3A_36 = arith.subf %add3A_32, %sub3A : vector<10000x128xf32>
    %square3A = arith.mulf %sub3A_36, %sub3A_36 : vector<10000x128xf32>
    %reduce_sum3A_37 = arith.constant dense<0.000000e+00> : vector<128xf32>
    %reduce_sum3A_38 = vector.multi_reduction <add>, %square3A, %reduce_sum3A_37 [0] : vector<10000x128xf32> to vector<128xf32>
    %broadcast_in_dim3A_39 = vector.shape_cast %reduce_sum3A_38 : vector<128xf32> to vector<1x128xf32>
    %div3A_40 = arith.constant 1.000000e+04 : f32
    %div3A_41 = vector.broadcast %div3A_40 : f32 to vector<1x128xf32>
    %div3A_42 = arith.divf %broadcast_in_dim3A_39, %div3A_41 : vector<1x128xf32>
    %sub3A_43 = vector.broadcast %div3A_35 : vector<1x128xf32> to vector<10000x128xf32>
    %sub3A_44 = arith.subf %add3A_32, %sub3A_43 : vector<10000x128xf32>
    %add3A_45 = arith.constant 9.99999974E-6 : f32
    %add3A_46 = vector.broadcast %add3A_45 : f32 to vector<1x128xf32>
    %add3A_47 = arith.addf %div3A_42, %add3A_46 : vector<1x128xf32>
    %rsqrt3A = math.rsqrt %add3A_47 : vector<1x128xf32>
    %mul3A = vector.broadcast %rsqrt3A : vector<1x128xf32> to vector<10000x128xf32>
    %mul3A_48 = arith.mulf %sub3A_44, %mul3A : vector<10000x128xf32>
    %get3A_49 = arith.constant 0 : index
    %get3A_50 = arith.constant 0 : index
    %get3A_51 = vector.load %arg6[%get3A_49, %get3A_50] : memref<1x128xf32, #tpu.memory_space<vmem>>, vector<1x128xf32>
    %mul3A_52 = vector.broadcast %get3A_51 : vector<1x128xf32> to vector<10000x128xf32>
    %mul3A_53 = arith.mulf %mul3A_48, %mul3A_52 : vector<10000x128xf32>
    %get3A_54 = arith.constant 0 : index
    %get3A_55 = arith.constant 0 : index
    %get3A_56 = vector.load %arg7[%get3A_54, %get3A_55] : memref<1x128xf32, #tpu.memory_space<vmem>>, vector<1x128xf32>
    %add3A_57 = vector.broadcast %get3A_56 : vector<1x128xf32> to vector<10000x128xf32>
    %add3A_58 = arith.addf %mul3A_53, %add3A_57 : vector<10000x128xf32>
    %max3A_59 = arith.constant 0.000000e+00 : f32
    %max3A_60 = vector.broadcast %max3A_59 : f32 to vector<10000x128xf32>
    %max3A_61 = arith.maximumf %add3A_58, %max3A_60 : vector<10000x128xf32>
    %swap3A = arith.constant 0 : index
    %swap3A_62 = arith.constant 0 : index
    %swap3A_63 = vector.load %arg8[%swap3A, %swap3A_62] : memref<10000x128xf32, #tpu.memory_space<vmem>>, vector<10000x128xf32>
    tpu.vector_store %arg8[%swap3A, %swap3A_62], %max3A_61 {strides = array<i32>} : memref<10000x128xf32, #tpu.memory_space<vmem>>, vector<10000x128xf32>,
    return
  }
}

</mosaic_0001>

<sc_bundles>
// kernel: kernel.4.cloned.1.call-start
scs
__scs_entry_jumppad:
0x0: {  	(pc) =	sbr.rel $0x88, $3  }
0x1: {  	(tag) =	ssettag $0x0;
	lr =	simm.s32 $0x1  }
0x2: {  	[smem:$0x3F99] =	sst lr;
	_ =	strace $0xD0000000  }
0x3: {  	_ = 	snop  }
0x4: {  	_ = 	snop  }
0x5: {  	_ = 	snop  }
0x6: {  	_ = 	snop  }
0x7: {  	_ = 	snop  }
__scs_overlays_trampoline_lowered:
0x8: {  	[smem:$0x3FA8] =	sst s0  }
0x9: {  	[smem:$0x3FA9] =	sst s1  }
0xa: {  	[smem:$0x3FAA] =	sst s2  }
0xb: {  	[smem:$0x3FAB] =	sst s3  }
0xc: {  	[smem:$0x3FAC] =	sst s4  }
0xd: {  	[smem:$0x3FAD] =	sst s5  }
0xe: {  	[smem:$0x3FAE] =	sst s6  }
0xf: {  	[smem:$0x3FAF] =	sst s7  }
0x10: {  	[smem:$0x3FB0] =	sst s8  }
0x11: {  	[smem:$0x3FB1] =	sst s9;
	s0 =	simm.s32 @!p0 $0x0  }
0x12: {  	s1 =	sld [smem:$0x3F97];
	s0 =	simm.s32 @p0 $0x1  }
0x13: {  	[smem:$0x3FB2] =	sst s0;
	s0 =	simm.s32 @!p1 $0x0  }
0x14: {  	s2 =	sld [smem:$0x3F96];
	s0 =	simm.s32 @p1 $0x1  }
0x15: {  	[smem:$0x3FB3] =	sst s0;
	s0 =	simm.s32 @!p2 $0x0  }
0x16: {  	s3 =	sld [smem:$0x3FDB];
	s0 =	simm.s32 @p2 $0x1  }
0x17: {  	s4 =	simm.s32 $0x1BF5;
	[smem:$0x3FB5] =	sst s0  }
0x18: {  	s0 =	sld [smem:$0x3F98];
	_ =	swait.ge [sflag:s4], $0x0  }
0x19: {  	s7 =	sld [smem:$0x3F99]  }
0x1a: {  	s8 =	sadd.s32 $0xFFFFE003, lr  }
0x1b: {  	s9 =	sadd.s32 $0xFFFFFEF7, lr;
	s5 =	simm.s32 $0xFFFFFFFF;
	p2 =	slt.u32 s8, $0xFFFFF086  }
0x1c: {  	p1 =	slt.u32 s9, $0xF7A;
	s5 =	simm.s32 @!p2 $0x0  }
0x1d: {  	s5 =	simm.s32 @p1 $0x1;
	p0 =	seq.s32 s7, s2  }
0x1e: {  	s7 =	smul.u32 @!p0 $0xF7A, s2;
	p2 =	seq.s32 @!p0 s5, $0x0  }
0x1f: {  	s9 =	smul.u32 $0xF7A, s1;
	s8 =	simm.s32 @!p0 $0x1BF5;
	p2 =	por !p2, p0  }
0x20: {  	[sflag:s8] =	ssyncset.s32 @!p0 $0xFFFFF086;
	s6 =	sadd.s32 @!p0 s3, s7;
	s7 =	simm.s32 @!p0 $0x108  }
0x21: {  	s3 =	sadd.s32 s3, s9;
	s6 =	sadd.s32 @!p0 $0x88, s6;
	s7 =	simm.s32 @p2 $0x1082  }
0x22: {  	[simem:s7], [sflag:s8] =	dma.local @!p0 [hbm:s6], $0xF7A  }
0x23: {  	s9 =	sor.u32 $0xD0000000, s2;
	s6 =	simm.s32 $0x108;
	_ =	swait.ge @!p0 [sflag:s8], $0x0  }
0x24: {  	s3 =	sadd.s32 $0x88, s3;
	s6 =	simm.s32 @!p1 $0x1082;
	[sflag:s4] =	ssyncset.s32 $0xFFFFF086  }
0x25: {  	[simem:s6], [sflag:s4] =	dma.local [hbm:s3], $0xF7A  }
0x26: {  	[smem:$0x3F99] =	sst s1;
	(tag) =	ssettag s2;
	_ =	strace s9  }
0x27: {  	s1 =	sld [smem:$0x3FA9]  }
0x28: {  	s2 =	sld [smem:$0x3FAA]  }
0x29: {  	s4 =	sld [smem:$0x3FAC]  }
0x2a: {  	p0 =	seq.s32 s5, $0x0;
	s5 =	sld [smem:$0x3FAD]  }
0x2b: {  	s6 =	sld [smem:$0x3FAE]  }
0x2c: {  	s7 =	sld [smem:$0x3FAF]  }
0x2d: {  	s3 =	simm.s32 $0x108;
	s8 =	sld [smem:$0x3FB0]  }
0x2e: {  	s3 =	simm.s32 @!p0 $0x1082;
	s9 =	sld [smem:$0x3FB1]  }
0x2f: {  	lr =	sadd.s32 s0, s3;
	s0 =	sld [smem:$0x3FA8]  }
0x30: {  	s3 =	sld [smem:$0x3FAB]  }
0x31: {  	[smem:$0x3FB4] =	sst s10  }
0x32: {  	s10 =	sld [smem:$0x3FB2];
	_ =	sdelay $0x3  }
0x33: {  	p0 =	seq.s32 s10, $0x1;
	s10 =	sld [smem:$0x3FB4];
	_ =	sdelay $0x3  }
0x34: {  	[smem:$0x3FB4] =	sst s10  }
0x35: {  	s10 =	sld [smem:$0x3FB3];
	_ =	sdelay $0x3  }
0x36: {  	p1 =	seq.s32 s10, $0x1;
	s10 =	sld [smem:$0x3FB4];
	_ =	sdelay $0x3  }
0x37: {  	[smem:$0x3FB4] =	sst s10  }
0x38: {  	s10 =	sld [smem:$0x3FB5]  }
0x39: {  	_ = 	snop;
	(pc) =	sbr.ind lr, $3  }
0x3a: {  	_ = 	snop  }
0x3b: {  	_ = 	snop  }
0x3c: {  	p2 =	seq.s32 s10, $0x1;
	s10 =	sld [smem:$0x3FB4]  }
0x3d: {  	_ =	shalt  }
0x3e: {  	_ =	shalt  }
0x3f: {  	_ =	shalt  }
0x40: {  	_ =	shalt  }
0x41: {  	_ =	shalt  }
0x42: {  	_ =	shalt  }
0x43: {  	_ =	shalt  }
0x44: {  	_ =	shalt  }
0x45: {  	_ =	shalt  }
0x46: {  	_ =	shalt  }
0x47: {  	_ =	shalt  }
0x48: {  	_ =	shalt  }
0x49: {  	_ =	shalt  }
0x4a: {  	_ =	shalt  }
0x4b: {  	_ =	shalt  }
0x4c: {  	_ =	shalt  }
0x4d: {  	_ =	shalt  }
0x4e: {  	_ =	shalt  }
0x4f: {  	_ =	shalt  }
0x50: {  	_ =	shalt  }
0x51: {  	_ =	shalt  }
0x52: {  	_ =	shalt  }
0x53: {  	_ =	shalt  }
0x54: {  	_ =	shalt  }
0x55: {  	_ =	shalt  }
0x56: {  	_ =	shalt  }
0x57: {  	_ =	shalt  }
0x58: {  	_ =	shalt  }
0x59: {  	_ =	shalt  }
0x5a: {  	_ =	shalt  }
0x5b: {  	_ =	shalt  }
0x5c: {  	_ =	shalt  }
0x5d: {  	_ =	shalt  }
0x5e: {  	_ =	shalt  }
0x5f: {  	_ =	shalt  }
0x60: {  	_ =	shalt  }
0x61: {  	_ =	shalt  }
0x62: {  	_ =	shalt  }
0x63: {  	_ =	shalt  }
0x64: {  	_ =	shalt  }
0x65: {  	_ =	shalt  }
0x66: {  	_ =	shalt  }
0x67: {  	_ =	shalt  }
0x68: {  	_ =	shalt  }
0x69: {  	_ =	shalt  }
0x6a: {  	_ =	shalt  }
0x6b: {  	_ =	shalt  }
0x6c: {  	_ =	shalt  }
0x6d: {  	_ =	shalt  }
0x6e: {  	_ =	shalt  }
0x6f: {  	_ =	shalt  }
0x70: {  	_ =	shalt  }
0x71: {  	_ =	shalt  }
0x72: {  	_ =	shalt  }
0x73: {  	_ =	shalt  }
0x74: {  	_ =	shalt  }
0x75: {  	_ =	shalt  }
0x76: {  	_ =	shalt  }
0x77: {  	_ =	shalt  }
0x78: {  	_ =	shalt  }
0x79: {  	_ =	shalt  }
0x7a: {  	_ =	shalt  }
0x7b: {  	_ =	shalt  }
0x7c: {  	_ =	shalt  }
0x7d: {  	_ =	shalt  }
0x7e: {  	_ =	shalt  }
0x7f: {  	_ =	shalt  }
0x80: {  	_ =	shalt  }
0x81: {  	_ =	shalt  }
0x82: {  	_ =	shalt  }
0x83: {  	_ =	shalt  }
0x84: {  	_ =	shalt  }
0x85: {  	_ =	shalt  }
0x86: {  	_ =	shalt  }
0x87: {  	_ =	shalt  }
.Lfunc_end0:
.L_simem_size_0:
called_computation_lowered:
.L_overlay_start_0:
0x88: {  	s2 =	sld [smem:$0x3FD9]  }
0x89: {  	s3 =	sld [smem:$0x3FFE];
	_ =	sdelay $0x1  }
0x8a: {  	s1 =	srdreg.scid  }
0x8b: {  	s0 =	sand.u32 $0x1, s1  }
0x8c: {  	s17 =	sshll.u32 s0, $0xA;
	s2 =	sadd.s32 s3, s2  }
0x8d: {  	s2 =	sadd.s32 s2, s17  }
0x8e: {  	[smem:$0x3FC0] =	sst s2  }
0x8f: {  	_ = 	snop  }
0x90: {  	s2 =	sld [smem:$0x3FC9]  }
0x91: {  	s18 =	sld [smem:$0x3FD0];
	(tm) =	ssettm $0x1  }
0x92: {  	s4 =	sld [smem:$0x3FFB];
	_ =	sdelay $0x3  }
0x93: {  	_ =	strace s4  }
0x94: {  	s4 =	sld [smem:$0x3FFC];
	_ =	sdelay $0x3  }
0x95: {  	_ =	strace s4  }
0x96: {  	s4 =	sld [smem:$0x3FFD];
	_ =	sdelay $0x3  }
0x97: {  	_ =	strace s4  }
0x98: {  	_ =	strace $0x8FFFFFFF  }
0x99: {  	s19 =	sld [smem:$0x3FDB];
	_ =	sdelay $0x1  }
0x9a: {  	s5 =	simm.s32 $_scs_section_size  }
0x9b: {  	s6 =	simm.s32 $_size__tile_overlayer_lowered;
	s7 =	simm.s32 $_tile_overlayer_lowered  }
0x9c: {  	s22 =	simm.s32 $0x1BFF;
	s21 =	sshll.u32 s7, $0x1;
	s4 =	sadd.s32 s5, s19  }
0x9d: {  	s8 =	simm.s32 $0x0;
	s20 =	sshll.u32 s6, $0x1;
	s6 =	sadd.s32 s21, s4  }
0x9e: {  	[timem:s8], [sflag:s22] =	dma.local [hbm:s6], s20  }
0x9f: {  	_ =	swait.ge [sflag:s22], s20  }
0xa0: {  	s5 =	ssub.s32 $0x0, s20;
	[sflag:s22] =	ssyncset.done $0x0  }
0xa1: {  	[sflag:s22] =	ssyncadd.s32 s5;
	_ =	sdelay $0x1  }
0xa2: {  	s23 =	simm.s32 $0x1B8B  }
0xa3: {  	_ =	swait.ge [sflag:s23], $0x1  }
0xa4: {  	[sflag:s23] =	ssyncset.done $0x0  }
0xa5: {  	s25 =	simm.s32 $0x1B8E;
	s24 =	sld [smem:$0x3FFE];
	[sflag:s23] =	ssyncadd.s32 $0xFFFFFFFF  }
0xa6: {  	s26 =	simm.s32 $execute0_lowered;
	[smem:$0x3FD2] =	sst s25  }
0xa7: {  	s6 =	sshll.u32 s26, $0x1;
	_ =	strace $0x80000046;
	[dreg:$0x1] =	wrdreg $0xFFFFFFFF  }
0xa8: {  	s28 =	simm.s32 $_size_execute0_lowered;
	s4 =	sadd.s32 s4, s6;
	[dreg:$0x0] =	wrdreg $0x0  }
0xa9: {  	s6 =	sshll.u32 s28, $0x1;
	[dreg:$0x2] =	wrdreg s4  }
0xaa: {  	[dreg:$0x3] =	wrdreg s6  }
0xab: {  	[dreg:$0x4] =	wrdreg $0xC0  }
0xac: {  	_ =	task [dreg:s8], $0x5FFFF  }
0xad: {  	[dreg:$0x1] =	wrdreg $0xFFFFFFFF  }
0xae: {  	[dreg:$0x0] =	wrdreg $0x60  }
0xaf: {  	[dreg:$0x2] =	wrdreg s2  }
0xb0: {  	[dreg:$0x3] =	wrdreg s24  }
0xb1: {  	[dreg:$0x4] =	wrdreg s18  }
0xb2: {  	[dreg:$0x5] =	wrdreg $0x84000  }
0xb3: {  	[dreg:$0x6] =	wrdreg $0x122000  }
0xb4: {  	[dreg:$0x7] =	wrdreg $0x9  }
0xb5: {  	_ =	task.clear_ibuf [dreg:s8], $0x8FFFF;
	_ =	strace $0x90000046  }
0xb6: {  	s29 =	simm.s32 $0x9;
	_ =	strace $0x80000048  }
0xb7: {  	_ =	swait.ge [sflag:s29], $0x1  }
0xb8: {  	[sflag:s29] =	ssyncadd.s32 $0xFFFFFFFF  }
0xb9: {  	_ =	strace $0x90000048  }
0xba: {  	_ =	sfence  }
0xbb: {  	s30 =	sld [smem:$0x0];
	_ =	sdelay $0x2  }
0xbc: {  	s31 =	sshll.u32 s1, $0xD;
	s1 =	sshrl.u32 s1, $0x2  }
0xbd: {  	s3 =	sand.u32 $0x4000, s31;
	s1 =	sadd.s32 s1, s30  }
0xbe: {  	s0 =	sor.u32 s3, s0;
	s1 =	sshll.u32 s1, $0x11  }
0xbf: {  	s0 =	sor.u32 s1, s0  }
0xc0: {  	s0 =	sadd.s32 $0x8F2B, s0  }
0xc1: {  	[sflag:s0] =	ssyncadd.remote.s32 $0x1  }
0xc2: {  	_ =	sfence.sel $0xFFFF  }
0xc3: {  	[dreg:$0x0] =	wrdreg $0xFFFFFFFF;
	(pc) =	sbr.abs _section_cstart, $3  }
0xc4: {  	[dreg:$0x1] =	wrdreg $0xFFFFFFFF  }
0xc5: {  	_ =	task.clear_ibuf [dreg:s8], $0x2FFFF;
	_ =	strace $0x9FFFFFFF  }
0xc6: {  	(tm) =	ssettm $0x7FFFFFFF  }
0xc7: {  	_ =	shalt  }
tec
execute0_lowered:
.L_overlay_start_1:
0x0: {  	(tag) =	ssettag $0x1  }
0x1: {  	s0 =	rddreg [dreg:$0x0]  }
0x2: {  	s1 =	rddreg [dreg:$0x1]  }
0x3: {  	s6 =	rddreg [dreg:$0x2]  }
0x4: {  	s2 =	rddreg [dreg:$0x3]  }
0x5: {  	s3 =	rddreg [dreg:$0x4]  }
0x6: {  	s4 =	simm.s32 $0x0;
	s14 =	stileid.u32;
	s5 =	srdreg.scid  }
0x7: {  	s17 =	simm.s32 $0x5;
	s28 =	simm.s32 $0x4400;
	s29 =	simm.s32 $0x280  }
0x8: {  	s30 =	simm.s32 $0x6400;
	s31 =	simm.s32 $0x100;
	s7 =	smul.u32 $0x1400, s14  }
0x9: {  	[smem:$0x7FF] =	sst s4;
	s8 =	sand.u32 $0x1, s5;
	s10 =	smul.u32 $0x9E00, s14  }
0xa: {  	s5 =	sadd.s32 $0x15800, s1;
	s20 =	smul.u32 $0x13C00, s14;
	s21 =	sshll.u32 s14, $0x6  }
0xb: {  	p0 =	seq.s32 s14, $0xF;
	_ =	strace $0x80000047;
	s9 =	ssub.s32 $0x2, s8  }
0xc: {  	s12 =	sshll.u32 s8, $0x6;
	s13 =	sshll.u32 s8, $0x3;
	s8 =	smul.u32 $0x9C400, s8  }
0xd: {  	s11 =	sadd.s32 s7, s1;
	s18 =	sshrl.u32 s9, $0x1;
	s15 =	sadd.s32 s10, s2  }
0xe: {  	s7 =	sor.u32 $0x1C05, s21;
	s21 =	simm.s32 $0x80;
	s19 =	ssub.s32 s9, s18  }
0xf: {  	s9 =	sor.u32 s12, s20;
	s12 =	sadd.s32 s10, s3;
	s22 =	sadd.s32 s10, s8  }
0x10: {  	s8 =	sshrl.u32 s8, $0x3;
	s10 =	sadd.s32 $0x1800, s11;
	s24 =	sadd.s32 $0x1840, s11  }
0x11: {  	s25 =	sadd.s32 $0x1880, s11;
	[dreg:$0x7] =	wrdreg s15;
	s26 =	sshrl.u32 s15, $0x3  }
0x12: {  	s11 =	simm.s32 $0x4;
	s9 =	sshrl.u32 s9, $0x3;
	[dreg:$0xc] =	wrdreg s24  }
0x13: {  	s8 =	sadd.s32 s6, s8;
	s1 =	smax.u32 s19, $0x1;
	[dreg:$0xd] =	wrdreg s25  }
0x14: {  	[dreg:$0xe] =	wrdreg s26;
	s20 =	sshrl.u32 @!p0 s12, $0x3;
	s24 =	simm.s32 $0x1  }
0x15: {  	s26 =	simm.s32 $0x200;
	s12 =	simm.s32 $0x0;
	s9 =	sadd.s32 s0, s9  }
0x16: {  	s0 =	sadd.s32 s13, s0;
	s13 =	sadd.s32 $0x9C400, s3;
	s23 =	sadd.s32 $0x12840, s8  }
0x17: {  	[dreg:$0xb] =	wrdreg s1;
	s1 =	simm.s32 $0x2;
	s8 =	simm.s32 $0x300  }
0x18: {  	[dreg:$0x6] =	wrdreg s9;
	s9 =	sadd.s32 $0x94200, s3;
	s0 =	sadd.s32 $0x25080, s0  }
.Ltmp0:
0x19: {  	[dreg:$0xa] =	wrdreg s23;
	s19 =	sshrl.u32 @p0 s13, $0x3;
	(pc) =	sbr.rel .LBB2_1-.Ltmp0, $4  }
0x1a: {  	s23 =	simm.s32 $0x2400;
	[dreg:$0x8] =	wrdreg s0;
	s0 =	sshrl.u32 s22, $0x3  }
0x1b: {  	s18 =	sshrl.u32 @p0 s9, $0x3;
	s22 =	simm.s32 $0x400;
	s0 =	sadd.s32 s6, s0  }
0x1c: {  	s9 =	simm.s32 $0x380;
	[dreg:$0x9] =	wrdreg s0;
	s0 =	sadd.s32 $0x94200, s2  }
0x1d: {  	s6 =	simm.s32 $0x3;
	s25 =	sshrl.u32 @p0 s0, $0x3;
	s0 =	simm.s32 $0x180  }
.LBB2_4:
0x1e: {  	[spmem:s2] =	stream.indirect.scatter.add.f32 [tilespmem:s28], [sflag:$0x4], $0x40, s8, s21, $0xb8;
	[tilespmem:$0x1C000] =	vst v63  }
0x1f: {  	_ = 	snop  }
0x20: {  	[spmem:s2] =	stream.indirect.scatter.add.f32 [tilespmem:s30], [sflag:$0x4], $0x40, s9, s21, $0xb8;
	[tilespmem:$0x1C000] =	vst v63  }
0x21: {  	_ =	swait.ge [sflag:s11], $0x2000  }
0x22: {  	[sflag:s11] =	ssyncset.done $0x0  }
0x23: {  	[sflag:s11] =	ssyncadd.s32 $0xFFFFE000  }
0x24: {  	_ =	swait.ge [sflag:s11], $0x2000  }
0x25: {  	[sflag:s11] =	ssyncset.done $0x0  }
0x26: {  	[sflag:s11] =	ssyncadd.s32 $0xFFFFE000  }
0x27: {  	[bflag:$0x0] =	sbarrier.arrive $0xFFFF  }
0x28: {  	s13 =	rddreg [dreg:$0xa]  }
0x29: {  	[hbm:s13], [sflag:s7] =	dma.local @p0 [spmem:s25], $0x1040  }
0x2a: {  	s13 =	simm.s32 @p0 $0x5  }
0x2b: {  	_ =	swait.ge @p0 [sflag:s13], $0x1040  }
0x2c: {  	[sflag:s13] =	ssyncset.done @p0 $0x0  }
0x2d: {  	[sflag:s13] =	ssyncadd.s32 @p0 $0xFFFFEFC0;
	s13 =	rddreg [dreg:$0x7]  }
0x2e: {  	s14 =	rddreg [dreg:$0x9];
	s13 =	sshrl.u32 @!p0 s13, $0x3  }
0x2f: {  	[hbm:s14], [sflag:s7] =	dma.local @!p0 [spmem:s13], $0x13C0  }
0x30: {  	s13 =	simm.s32 @!p0 $0x5  }
0x31: {  	_ =	swait.ge @!p0 [sflag:s13], $0x13C0  }
0x32: {  	s12 =	sadd.s32 $0x1, s12;
	s16 =	rddreg [dreg:$0xb]  }
0x33: {  	p1 =	sne.s32 s12, s16  }
.Ltmp1:
0x34: {  	_ = 	snop;
	(pc) =	sbr.rel @!p1 .LBB2_5-.Ltmp1, $3  }
0x35: {  	_ =	sdelay $0x1  }
0x36: {  	[sflag:s13] =	ssyncset.done @!p0 $0x0  }
0x37: {  	[sflag:s13] =	ssyncadd.s32 @!p0 $0xFFFFEC40  }
.LBB2_1:
0x38: {  	s13 =	rddreg [dreg:$0xe]  }
0x39: {  	[spmem:s13], [sflag:s7] =	dma.local [hbm:s5], $0x13C0  }
0x3a: {  	_ =	swait.ge [sflag:s17], $0x13C0  }
0x3b: {  	s14 =	simm.s32 @p0 $0x8;
	s15 =	simm.s32 @p0 $0x10;
	[sflag:s17] =	ssyncset.done $0x0  }
0x3c: {  	s13 =	simm.s32 @p0 $0x1;
	s16 =	rddreg [dreg:$0x8];
	[sflag:s17] =	ssyncadd.s32 $0xFFFFEC40  }
0x3d: {  	[spmem:s18@s14], [sflag:s7] =	dma.strided @p0 [hbm:s16@s15], $0x1040, s13, $0x8   }
0x3e: {  	s13 =	simm.s32 @p0 $0x5  }
0x3f: {  	_ =	swait.ge @p0 [sflag:s13], $0x1040  }
0x40: {  	[sflag:s13] =	ssyncset.done @p0 $0x0  }
0x41: {  	[sflag:s13] =	ssyncadd.s32 @p0 $0xFFFFEFC0  }
0x42: {  	[spmem:s19], [sflag:s7] =	dma.local @p0 [hbm:s5], $0x380  }
0x43: {  	_ =	swait.ge @p0 [sflag:s13], $0x380  }
0x44: {  	s14 =	simm.s32 @!p0 $0x8;
	s15 =	simm.s32 @!p0 $0x10;
	[sflag:s13] =	ssyncset.done @p0 $0x0  }
0x45: {  	s16 =	rddreg [dreg:$0x6];
	[sflag:s13] =	ssyncadd.s32 @p0 $0xFFFFFC80;
	s13 =	simm.s32 @!p0 $0x1  }
0x46: {  	[spmem:s20@s14], [sflag:s7] =	dma.strided @!p0 [hbm:s16@s15], $0x13C0, s13, $0x8   }
0x47: {  	s13 =	simm.s32 @!p0 $0x5  }
0x48: {  	_ =	swait.ge @!p0 [sflag:s13], $0x13C0  }
0x49: {  	[sflag:s13] =	ssyncset.done @!p0 $0x0  }
0x4a: {  	[sflag:s13] =	ssyncadd.s32 @!p0 $0xFFFFEC40  }
0x4b: {  	[bflag:$0x0] =	sbarrier.arrive $0xFFFF  }
0x4c: {  	[tilespmem:s4], [sflag:$0x5] =	stream.linear.gather [hbm4b:s10+s4], $0x200, $0x38;
	[tilespmem:$0x1C000] =	vst v63  }
0x4d: {  	_ =	swait.ge [sflag:s17], $0x200  }
0x4e: {  	[sflag:s17] =	ssyncset.done $0x0  }
0x4f: {  	[sflag:s17] =	ssyncadd.s32 $0xFFFFFE00  }
0x50: {  	[tilespmem:s22], [sflag:$0x1] =	stream.indirect.gather [spmem:s3], $0x40, s4, s21, $0xb8;
	[tilespmem:$0x1C000] =	vst v63  }
0x51: {  	_ = 	snop  }
0x52: {  	[tilespmem:s23], [sflag:$0x1] =	stream.indirect.gather [spmem:s3], $0x40, s21, s21, $0xb8;
	[tilespmem:$0x1C000] =	vst v63  }
0x53: {  	_ =	swait.ge [sflag:s24], $0x2000  }
0x54: {  	[sflag:s24] =	ssyncset.done $0x0  }
0x55: {  	[sflag:s24] =	ssyncadd.s32 $0xFFFFE000  }
0x56: {  	_ =	swait.ge [sflag:s24], $0x2000  }
0x57: {  	[sflag:s24] =	ssyncset.done $0x0  }
0x58: {  	s15 =	rddreg [dreg:$0xc];
	[sflag:s24] =	ssyncadd.s32 $0xFFFFE000  }
0x59: {  	[tilespmem:s26], [sflag:$0x5] =	stream.linear.gather [hbm4b:s15+s4], $0x200, $0x38;
	[tilespmem:$0x1C000] =	vst v63  }
0x5a: {  	_ =	swait.ge [sflag:s17], $0x200  }
0x5b: {  	[sflag:s17] =	ssyncset.done $0x0  }
0x5c: {  	[sflag:s17] =	ssyncadd.s32 $0xFFFFFE00  }
0x5d: {  	[tilespmem:s28], [sflag:$0x2] =	stream.indirect.gather [spmem:s3], $0x40, s26, s21, $0xb8;
	[tilespmem:$0x1C000] =	vst v63  }
0x5e: {  	_ = 	snop  }
0x5f: {  	[tilespmem:s30], [sflag:$0x2] =	stream.indirect.gather [spmem:s3], $0x40, s29, s21, $0xb8;
	[tilespmem:$0x1C000] =	vst v63  }
0x60: {  	_ = 	snop  }
0x61: {  	[spmem:s2] =	stream.indirect.scatter.add.f32 [tilespmem:s22], [sflag:$0x3], $0x40, s31, s21, $0xb8;
	[tilespmem:$0x1C000] =	vst v63  }
0x62: {  	_ = 	snop  }
0x63: {  	[spmem:s2] =	stream.indirect.scatter.add.f32 [tilespmem:s23], [sflag:$0x3], $0x40, s0, s21, $0xb8;
	[tilespmem:$0x1C000] =	vst v63  }
0x64: {  	_ =	swait.ge [sflag:s1], $0x2000  }
0x65: {  	[sflag:s1] =	ssyncset.done $0x0  }
0x66: {  	[sflag:s1] =	ssyncadd.s32 $0xFFFFE000  }
0x67: {  	_ =	swait.ge [sflag:s1], $0x2000  }
0x68: {  	[sflag:s1] =	ssyncset.done $0x0  }
0x69: {  	[sflag:s1] =	ssyncadd.s32 $0xFFFFE000  }
0x6a: {  	_ =	swait.ge [sflag:s6], $0x2000  }
0x6b: {  	[sflag:s6] =	ssyncset.done $0x0  }
0x6c: {  	[sflag:s6] =	ssyncadd.s32 $0xFFFFE000  }
0x6d: {  	_ =	swait.ge [sflag:s6], $0x2000  }
0x6e: {  	[sflag:s6] =	ssyncset.done $0x0  }
0x6f: {  	s16 =	rddreg [dreg:$0xd];
	[sflag:s6] =	ssyncadd.s32 $0xFFFFE000  }
0x70: {  	[tilespmem:s4], [sflag:$0x5] =	stream.linear.gather [hbm4b:s16+s4], $0x200, $0x38;
	[tilespmem:$0x1C000] =	vst v63  }
0x71: {  	_ =	swait.ge [sflag:s17], $0x200  }
0x72: {  	[sflag:s17] =	ssyncset.done $0x0  }
0x73: {  	[sflag:s17] =	ssyncadd.s32 $0xFFFFFE00  }
0x74: {  	[tilespmem:s22], [sflag:$0x1] =	stream.indirect.gather [spmem:s3], $0x40, s4, s21, $0xb8;
	[tilespmem:$0x1C000] =	vst v63  }
0x75: {  	_ = 	snop  }
0x76: {  	[tilespmem:s23], [sflag:$0x1] =	stream.indirect.gather [spmem:s3], $0x40, s21, s21, $0xb8;
	[tilespmem:$0x1C000] =	vst v63  }
0x77: {  	_ = 	snop  }
0x78: {  	[spmem:s2] =	stream.indirect.scatter.add.f32 [tilespmem:s28], [sflag:$0x4], $0x40, s8, s21, $0xb8;
	[tilespmem:$0x1C000] =	vst v63  }
0x79: {  	s13 =	simm.s32 $0xFFFFED00  }
0x7a: {  	[spmem:s2] =	stream.indirect.scatter.add.f32 [tilespmem:s30], [sflag:$0x4], $0x40, s9, s21, $0xb8;
	[tilespmem:$0x1C000] =	vst v63  }
.LBB2_2:
0x7b: {  	_ =	swait.ge [sflag:s24], $0x2000  }
0x7c: {  	[sflag:s24] =	ssyncset.done $0x0  }
0x7d: {  	[sflag:s24] =	ssyncadd.s32 $0xFFFFE000  }
0x7e: {  	_ =	swait.ge [sflag:s24], $0x2000  }
0x7f: {  	[sflag:s24] =	ssyncset.done $0x0  }
0x80: {  	[sflag:s24] =	ssyncadd.s32 $0xFFFFE000  }
0x81: {  	_ =	swait.ge [sflag:s11], $0x2000  }
0x82: {  	[sflag:s11] =	ssyncset.done $0x0  }
0x83: {  	[sflag:s11] =	ssyncadd.s32 $0xFFFFE000  }
0x84: {  	_ =	swait.ge [sflag:s11], $0x2000  }
0x85: {  	s14 =	sadd.s32 s13, s10;
	[sflag:s11] =	ssyncset.done $0x0  }
0x86: {  	s15 =	sadd.s32 $0x13C0, s14;
	[sflag:s11] =	ssyncadd.s32 $0xFFFFE000  }
0x87: {  	[tilespmem:s26], [sflag:$0x5] =	stream.linear.gather [hbm4b:s15+s4], $0x200, $0x38;
	[tilespmem:$0x1C000] =	vst v63  }
0x88: {  	_ =	swait.ge [sflag:s17], $0x200  }
0x89: {  	[sflag:s17] =	ssyncset.done $0x0  }
0x8a: {  	[sflag:s17] =	ssyncadd.s32 $0xFFFFFE00  }
0x8b: {  	[tilespmem:s28], [sflag:$0x2] =	stream.indirect.gather [spmem:s3], $0x40, s26, s21, $0xb8;
	[tilespmem:$0x1C000] =	vst v63  }
0x8c: {  	_ = 	snop  }
0x8d: {  	[tilespmem:s30], [sflag:$0x2] =	stream.indirect.gather [spmem:s3], $0x40, s29, s21, $0xb8;
	[tilespmem:$0x1C000] =	vst v63  }
0x8e: {  	_ = 	snop  }
0x8f: {  	[spmem:s2] =	stream.indirect.scatter.add.f32 [tilespmem:s22], [sflag:$0x3], $0x40, s31, s21, $0xb8;
	[tilespmem:$0x1C000] =	vst v63  }
0x90: {  	_ = 	snop  }
0x91: {  	[spmem:s2] =	stream.indirect.scatter.add.f32 [tilespmem:s23], [sflag:$0x3], $0x40, s0, s21, $0xb8;
	[tilespmem:$0x1C000] =	vst v63  }
0x92: {  	_ =	swait.ge [sflag:s1], $0x2000  }
0x93: {  	[sflag:s1] =	ssyncset.done $0x0  }
0x94: {  	[sflag:s1] =	ssyncadd.s32 $0xFFFFE000  }
0x95: {  	_ =	swait.ge [sflag:s1], $0x2000  }
0x96: {  	[sflag:s1] =	ssyncset.done $0x0  }
0x97: {  	[sflag:s1] =	ssyncadd.s32 $0xFFFFE000  }
0x98: {  	p1 =	seq.s32 s13, $0x0;
	_ =	swait.ge [sflag:s6], $0x2000  }
.Ltmp2:
0x99: {  	[sflag:s6] =	ssyncset.done $0x0;
	(pc) =	sbr.rel @p1 .LBB2_4-.Ltmp2, $4  }
0x9a: {  	[sflag:s6] =	ssyncadd.s32 $0xFFFFE000  }
0x9b: {  	_ =	swait.ge [sflag:s6], $0x2000  }
0x9c: {  	[sflag:s6] =	ssyncset.done $0x0  }
0x9d: {  	[sflag:s6] =	ssyncadd.s32 $0xFFFFE000  }
0x9e: {  	s14 =	sadd.s32 $0x1400, s14  }
0x9f: {  	[tilespmem:s4], [sflag:$0x5] =	stream.linear.gather [hbm4b:s14+s4], $0x200, $0x38;
	[tilespmem:$0x1C000] =	vst v63  }
0xa0: {  	_ =	swait.ge [sflag:s17], $0x200  }
0xa1: {  	[sflag:s17] =	ssyncset.done $0x0  }
0xa2: {  	[sflag:s17] =	ssyncadd.s32 $0xFFFFFE00  }
0xa3: {  	[tilespmem:s22], [sflag:$0x1] =	stream.indirect.gather [spmem:s3], $0x40, s4, s21, $0xb8;
	[tilespmem:$0x1C000] =	vst v63  }
0xa4: {  	_ = 	snop  }
0xa5: {  	[tilespmem:s23], [sflag:$0x1] =	stream.indirect.gather [spmem:s3], $0x40, s21, s21, $0xb8;
	[tilespmem:$0x1C000] =	vst v63  }
.Ltmp3:
0xa6: {  	_ = 	snop;
	(pc) =	sbr.rel .LBB2_2-.Ltmp3, $4  }
0xa7: {  	_ = 	snop  }
0xa8: {  	[spmem:s2] =	stream.indirect.scatter.add.f32 [tilespmem:s28], [sflag:$0x4], $0x40, s8, s21, $0xb8;
	[tilespmem:$0x1C000] =	vst v63  }
0xa9: {  	s13 =	sadd.s32 $0x80, s13  }
0xaa: {  	[spmem:s2] =	stream.indirect.scatter.add.f32 [tilespmem:s30], [sflag:$0x4], $0x40, s9, s21, $0xb8;
	[tilespmem:$0x1C000] =	vst v63  }
.LBB2_5:
0xab: {  	_ =	sfence.sel $0x180000  }
0xac: {  	[bflag:$0x0] =	sbarrier.arrive $0xFFFF  }
0xad: {  	_ =	strace $0x90000047  }
0xae: {  	s0 =	stileid.u32;
	[bflag:$0x2] =	sbarrier.arrive $0xFFFF  }
0xaf: {  	p0 =	sne.s32 s0, $0x0;
	s0 =	rddreg [dreg:$0x5]  }
0xb0: {  	s0 =	sadd.s32 @!p0 $0x100000, s0  }
0xb1: {  	[sflag:s0] =	ssyncadd.tile.s32 @!p0 $0x1;
	_ =	shalt  }
.Lfunc_end2:
_tile_overlayer_lowered:
.L_overlay_start_2:
0xb2: {  	(tag) =	ssettag $0x2  }
0xb3: {  	s0 =	rddreg [dreg:$0x0];
	s2 =	stileid.u32  }
0xb4: {  	s1 =	rddreg [dreg:$0x1];
	p0 =	sne.s32 s2, $0x0  }
0xb5: {  	s3 =	rddreg [dreg:$0x2];
	[bflag:$0x3] =	sbarrier.arrive $0xFFFF;
	s2 =	simm.s32 @!p0 $0x1C05  }
0xb6: {  	[timem:s3], [sflag:s2] =	dma.local @!p0 [hbm:s0], s1  }
0xb7: {  	s0 =	simm.s32 @!p0 $0x5  }
0xb8: {  	_ =	swait.ge @!p0 [sflag:s0], s1  }
0xb9: {  	s1 =	ssub.s32 @!p0 $0x0, s1;
	[sflag:s0] =	ssyncset.done @!p0 $0x0  }
0xba: {  	[sflag:s0] =	ssyncadd.s32 @!p0 s1  }
0xbb: {  	[bflag:$0x3] =	sbarrier.arrive $0xFFFF  }
0xbc: {  	_ =	shalt  }

</sc_bundles>
